<compile_context>
chip_gen: v7x
topology: tpu7x:2x2x1
jax: 0.10.2.dev20260603
libtpu: 0.0.44.dev20260713+nightly
codegen_flags: <defaults>
</compile_context>

<pallas_src>
import jax
import jax.numpy as jnp
from jax import lax
from jax.experimental import pallas as pl
from jax.experimental.pallas import tpu as pltpu
from jax.experimental.pallas import tpu_sc as plsc

VOCAB = 30522
HIDDEN = 768
MAX_POS = 512
BATCH = 1024
SEQ = 200
EPS = 1e-12

NC = 2
NS = 16
NW = NC * NS
TOK = BATCH * SEQ
TOK_W = TOK // NW
ROWS_W = TOK_W // SEQ
CHUNK = 40
PHASES = SEQ // CHUNK
NK = ROWS_W * PHASES
NB = 3
LANES = 16
JV = HIDDEN // LANES


def _rsqrt16(x):
    i = lax.bitcast_convert_type(x, jnp.int32)
    i = jnp.int32(0x5F3759DF) - lax.shift_right_logical(i, 1)
    y = lax.bitcast_convert_type(i, jnp.float32)
    for _ in range(3):
        y = y * (1.5 - 0.5 * x * y * y)
    return y


def _sc_body(ids_hbm, word_hbm, pos_hbm, gamma_hbm, beta_hbm, out_hbm,
             idx_v, pos_v, g_v, b_v, rows_v, sem_in, sem_out):
    wid = lax.axis_index("s") * NC + lax.axis_index("c")
    wbase = wid * TOK_W

    pltpu.sync_copy(ids_hbm.at[pl.ds(wbase, TOK_W)], idx_v)
    pltpu.sync_copy(gamma_hbm, g_v)
    pltpu.sync_copy(beta_hbm, b_v)

    def tok_off(k):
        p = k // ROWS_W
        r = lax.rem(k, ROWS_W)
        return r * SEQ + p * CHUNK

    def start_gather(k):
        b = lax.rem(k, NB)
        pltpu.make_async_copy(
            word_hbm.at[idx_v.at[pl.ds(tok_off(k), CHUNK)]],
            rows_v.at[b], sem_in.at[b],
        ).start()

    def wait_gather(k):
        b = lax.rem(k, NB)
        pltpu.make_async_copy(
            word_hbm.at[idx_v.at[pl.ds(0, CHUNK)]],
            rows_v.at[b], sem_in.at[b],
        ).wait()

    def start_out(k):
        b = lax.rem(k, NB)
        pltpu.make_async_copy(
            rows_v.at[b], out_hbm.at[pl.ds(wbase + tok_off(k), CHUNK)],
            sem_out.at[b],
        ).start()

    def wait_out(k):
        b = lax.rem(k, NB)
        pltpu.make_async_copy(
            rows_v.at[b], out_hbm.at[pl.ds(wbase, CHUNK)], sem_out.at[b],
        ).wait()

    pltpu.sync_copy(pos_hbm.at[pl.ds(0, CHUNK)], pos_v)
    start_gather(0)
    start_gather(1)

    def loop(k, _):
        b = lax.rem(k, NB)

        @pl.when(jnp.logical_and(lax.rem(k, ROWS_W) == 0, k > 0))
        def _():
            pltpu.sync_copy(pos_hbm.at[pl.ds((k // ROWS_W) * CHUNK, CHUNK)], pos_v)

        wait_gather(k)

        def tok_body(t, _):
            acc = jnp.zeros((LANES,), jnp.float32)
            acc2 = jnp.zeros((LANES,), jnp.float32)
            for j in range(JV):
                sl = pl.ds(j * LANES, LANES)
                v = rows_v[b, t, sl] + pos_v[t, sl]
                rows_v[b, t, sl] = v
                acc = acc + v
                acc2 = acc2 + v * v
            s = jnp.sum(acc)
            s2 = jnp.sum(acc2)
            mean = s * (1.0 / HIDDEN)
            var = jnp.maximum(s2 * (1.0 / HIDDEN) - mean * mean, 0.0)
            meanv = jnp.broadcast_to(mean, (LANES,))
            invv = _rsqrt16(jnp.broadcast_to(var + EPS, (LANES,)))
            for j in range(JV):
                sl = pl.ds(j * LANES, LANES)
                ag = invv * g_v[sl]
                c = b_v[sl] - meanv * ag
                rows_v[b, t, sl] = rows_v[b, t, sl] * ag + c
            return 0

        start_out(k)

        @pl.when(k == 0)
        def _():
            start_gather(2)

        @pl.when(jnp.logical_and(k >= 1, k <= NK - 3))
        def _():
            wait_out(k - 1)
            start_gather(k + 2)

        return 0

    lax.fori_loop(0, NK, loop, 0)
    wait_out(NK - 3)
    wait_out(NK - 2)
    wait_out(NK - 1)


@jax.jit
def kernel(input_ids, word_emb, pos_emb, gamma, beta):
    ids_flat = input_ids.reshape(TOK).astype(jnp.int32)
    mesh = plsc.VectorSubcoreMesh(core_axis_name="c", subcore_axis_name="s")
    k = pl.kernel(
        _sc_body,
        out_type=jax.ShapeDtypeStruct((TOK, HIDDEN), jnp.float32),
        mesh=mesh,
        scratch_types=[
            pltpu.VMEM((TOK_W,), jnp.int32),
            pltpu.VMEM((CHUNK, HIDDEN), jnp.float32),
            pltpu.VMEM((HIDDEN,), jnp.float32),
            pltpu.VMEM((HIDDEN,), jnp.float32),
            pltpu.VMEM((NB, CHUNK, HIDDEN), jnp.float32),
            pltpu.SemaphoreType.DMA((NB,)),
            pltpu.SemaphoreType.DMA((NB,)),
        ],
        compiler_params=pltpu.CompilerParams(needs_layout_passes=False),
    )
    out = k(ids_flat, word_emb, pos_emb, gamma, beta)
    return out.reshape(BATCH, SEQ, HIDDEN)

# --- scband reference (transcript-rebuilt; emitter-appended) ---
"""Pipeline reference for scband-bert-embeddings-5136780886037 (READ-ONLY COPY).

The authoritative reference and input builder live on the scoring server;
editing this copy changes nothing except your own understanding.
"""

import jax, jax.numpy as jnp
import numpy as np

VOCAB = 30522
HIDDEN = 768
MAX_POS = 512
BATCH = 1024
SEQ = 200
EPS = 1e-12


def setup_inputs(seed: int = 0) -> dict:
    key = jax.random.key(seed)
    k1, k2, k3 = jax.random.split(key, 3)
    input_ids = jax.random.randint(k1, (BATCH, SEQ), 0, VOCAB, dtype=jnp.int64 if jax.config.jax_enable_x64 else jnp.int32)
    word_emb = jax.random.normal(k2, (VOCAB, HIDDEN), dtype=jnp.float32) * 0.02
    pos_emb = jax.random.normal(k3, (MAX_POS, HIDDEN), dtype=jnp.float32) * 0.02
    gamma = jnp.ones((HIDDEN,), dtype=jnp.float32)
    beta = jnp.zeros((HIDDEN,), dtype=jnp.float32)
    return {"input_ids": input_ids, "word_emb": word_emb, "pos_emb": pos_emb, "gamma": gamma, "beta": beta}


def reference(input_ids, word_emb, pos_emb, gamma, beta):
    # word embedding lookup (gather)
    embeddings = jnp.take(word_emb, input_ids, axis=0)  # [B, S, H]
    # absolute position embeddings: position_ids = arange(seq_len)
    seq_len = input_ids.shape[1]
    position_ids = jnp.arange(seq_len)
    position_embeddings = jnp.take(pos_emb, position_ids, axis=0)  # [S, H]
    embeddings = embeddings + position_embeddings[None, :, :]
    # LayerNorm over last dim, eps=1e-12
    mean = jnp.mean(embeddings, axis=-1, keepdims=True)
    var = jnp.mean(jnp.square(embeddings - mean), axis=-1, keepdims=True)
    normed = (embeddings - mean) / jnp.sqrt(var + EPS)
    out = normed * gamma + beta
    # dropout is identity in eval mode
    return out

if __name__ == "__main__":
    import jax
    _d = setup_inputs()
    print(jax.jit(kernel)(*tuple(_d.values())))

</pallas_src>

<mosaic_0001>
#map = affine_map<(d0, d1) -> (0)>
#map1 = affine_map<(d0, d1) -> (0, 0)>
module attributes {stable_mosaic.version = 14 : i64} {
  func.func @_sc_body(%arg0: i32, %arg1: i32, %arg2: memref<204800xi32, #tpu.memory_space<hbm>>, %arg3: memref<30522x768xf32, #tpu.memory_space<hbm>>, %arg4: memref<512x768xf32, #tpu.memory_space<hbm>>, %arg5: memref<768xf32, #tpu.memory_space<hbm>>, %arg6: memref<768xf32, #tpu.memory_space<hbm>>, %arg7: memref<204800x768xf32, #tpu.memory_space<hbm>>, %arg8: memref<6400xi32, #tpu.memory_space<vmem>>, %arg9: memref<40x768xf32, #tpu.memory_space<vmem>>, %arg10: memref<768xf32, #tpu.memory_space<vmem>>, %arg11: memref<768xf32, #tpu.memory_space<vmem>>, %arg12: memref<3x40x768xf32, #tpu.memory_space<vmem>>, %arg13: memref<3x!tpu.dma_semaphore, #tpu.memory_space<semaphore_mem>>, %arg14: memref<3x!tpu.dma_semaphore, #tpu.memory_space<semaphore_mem>>) attributes {dimension_semantics = [#tpu.dimension_semantics<core_parallel>, #tpu.dimension_semantics<subcore_parallel>], iteration_bounds = array<i64: 2, 16>, scalar_prefetch = 0 : i64, scratch_operands = 7 : i64, tpu.core_type = #tpu.core_type<sc_vector_subcore>, window_params = [{transform_indices = #map}, {transform_indices = #map1}, {transform_indices = #map1}, {transform_indices = #map}, {transform_indices = #map}, {transform_indices = #map1}]} {
    %mul3A = arith.constant 2 : i32
    %mul3A_0 = arith.muli %arg1, %mul3A : i32
    %add3A = arith.addi %mul3A_0, %arg0 : i32
    %mul3A_1 = arith.constant 6400 : i32
    %mul3A_2 = arith.muli %add3A, %mul3A_1 : i32
    "tpu.region"() ({
      %run_scoped3A = tpu.sem_alloc : memref<!tpu.dma_semaphore, #tpu.memory_space<semaphore_mem>>
      %dma_start3A_97 = tpu.memref_slice %arg2[%mul3A_2] : memref<204800xi32, #tpu.memory_space<hbm>> -> memref<6400xi32, #tpu.memory_space<hbm>>
      %dma_start3A_98 = tpu.memref_slice %arg2[%mul3A_2] : memref<204800xi32, #tpu.memory_space<hbm>> -> memref<6400xi32, #tpu.memory_space<hbm>>
      tpu.enqueue_dma source(%dma_start3A_98 : memref<6400xi32, #tpu.memory_space<hbm>>) target(%arg8 : memref<6400xi32, #tpu.memory_space<vmem>>) target_semaphore(%run_scoped3A : memref<!tpu.dma_semaphore, #tpu.memory_space<semaphore_mem>>)
      %dma_wait3A_99 = tpu.memref_slice %arg2[%mul3A_2] : memref<204800xi32, #tpu.memory_space<hbm>> -> memref<6400xi32, #tpu.memory_space<hbm>>
      %dma_wait3A_100 = tpu.memref_slice %arg2[%mul3A_2] : memref<204800xi32, #tpu.memory_space<hbm>> -> memref<6400xi32, #tpu.memory_space<hbm>>
      tpu.wait_dma2 semaphore(%run_scoped3A : memref<!tpu.dma_semaphore, #tpu.memory_space<semaphore_mem>>) src(%dma_wait3A_100 : memref<6400xi32, #tpu.memory_space<hbm>>) dst(%arg8 : memref<6400xi32, #tpu.memory_space<vmem>>)
      tpu.yield
    }) : () -> ()
    "tpu.region"() ({
      %run_scoped3A = tpu.sem_alloc : memref<!tpu.dma_semaphore, #tpu.memory_space<semaphore_mem>>
      tpu.enqueue_dma source(%arg5 : memref<768xf32, #tpu.memory_space<hbm>>) target(%arg10 : memref<768xf32, #tpu.memory_space<vmem>>) target_semaphore(%run_scoped3A : memref<!tpu.dma_semaphore, #tpu.memory_space<semaphore_mem>>)
      tpu.wait_dma2 semaphore(%run_scoped3A : memref<!tpu.dma_semaphore, #tpu.memory_space<semaphore_mem>>) src(%arg5 : memref<768xf32, #tpu.memory_space<hbm>>) dst(%arg10 : memref<768xf32, #tpu.memory_space<vmem>>)
      tpu.yield
    }) : () -> ()
    "tpu.region"() ({
      %run_scoped3A = tpu.sem_alloc : memref<!tpu.dma_semaphore, #tpu.memory_space<semaphore_mem>>
      tpu.enqueue_dma source(%arg6 : memref<768xf32, #tpu.memory_space<hbm>>) target(%arg11 : memref<768xf32, #tpu.memory_space<vmem>>) target_semaphore(%run_scoped3A : memref<!tpu.dma_semaphore, #tpu.memory_space<semaphore_mem>>)
      tpu.wait_dma2 semaphore(%run_scoped3A : memref<!tpu.dma_semaphore, #tpu.memory_space<semaphore_mem>>) src(%arg6 : memref<768xf32, #tpu.memory_space<hbm>>) dst(%arg11 : memref<768xf32, #tpu.memory_space<vmem>>)
      tpu.yield
    }) : () -> ()
    "tpu.region"() ({
      %run_scoped3A = tpu.sem_alloc : memref<!tpu.dma_semaphore, #tpu.memory_space<semaphore_mem>>
      %dma_start3A_97 = arith.constant 0 : i32
      %dma_start3A_98 = arith.constant 0 : i32
      %dma_start3A_99 = tpu.memref_slice %arg4[%dma_start3A_97, %dma_start3A_98] : memref<512x768xf32, #tpu.memory_space<hbm>> -> memref<40x768xf32, #tpu.memory_space<hbm>>
      %dma_start3A_100 = arith.constant 0 : i32
      %dma_start3A_101 = arith.constant 0 : i32
      %dma_start3A_102 = tpu.memref_slice %arg4[%dma_start3A_100, %dma_start3A_101] : memref<512x768xf32, #tpu.memory_space<hbm>> -> memref<40x768xf32, #tpu.memory_space<hbm>>
      tpu.enqueue_dma source(%dma_start3A_102 : memref<40x768xf32, #tpu.memory_space<hbm>>) target(%arg9 : memref<40x768xf32, #tpu.memory_space<vmem>>) target_semaphore(%run_scoped3A : memref<!tpu.dma_semaphore, #tpu.memory_space<semaphore_mem>>)
      %dma_wait3A_103 = arith.constant 0 : i32
      %dma_wait3A_104 = arith.constant 0 : i32
      %dma_wait3A_105 = tpu.memref_slice %arg4[%dma_wait3A_103, %dma_wait3A_104] : memref<512x768xf32, #tpu.memory_space<hbm>> -> memref<40x768xf32, #tpu.memory_space<hbm>>
      %dma_wait3A_106 = arith.constant 0 : i32
      %dma_wait3A_107 = arith.constant 0 : i32
      %dma_wait3A_108 = tpu.memref_slice %arg4[%dma_wait3A_106, %dma_wait3A_107] : memref<512x768xf32, #tpu.memory_space<hbm>> -> memref<40x768xf32, #tpu.memory_space<hbm>>
      tpu.wait_dma2 semaphore(%run_scoped3A : memref<!tpu.dma_semaphore, #tpu.memory_space<semaphore_mem>>) src(%dma_wait3A_108 : memref<40x768xf32, #tpu.memory_space<hbm>>) dst(%arg9 : memref<40x768xf32, #tpu.memory_space<vmem>>)
      tpu.yield
    }) : () -> ()
    %rem3A = arith.constant 0 : i32
    %rem3A_3 = arith.constant 3 : i32
    %rem3A_4 = arith.remsi %rem3A, %rem3A_3 : i32
    %rem3A_5 = arith.constant 0 : i32
    %rem3A_6 = arith.constant 32 : i32
    %rem3A_7 = arith.remsi %rem3A_5, %rem3A_6 : i32
    %mul3A_8 = arith.constant 200 : i32
    %mul3A_9 = arith.muli %rem3A_7, %mul3A_8 : i32
    %add3A_10 = arith.constant 0 : i32
    %add3A_11 = arith.addi %mul3A_9, %add3A_10 : i32
    %dma_start3A = arith.constant 0 : i32
    %dma_start3A_12 = arith.constant 0 : i32
    %dma_start3A_13 = tpu.memref_slice %arg12[%rem3A_4, %dma_start3A, %dma_start3A_12] : memref<3x40x768xf32, #tpu.memory_space<vmem>> -> memref<1x40x768xf32, #tpu.memory_space<vmem>>
    %dma_start3A_14 = tpu.memref_squeeze %dma_start3A_13 : memref<1x40x768xf32, #tpu.memory_space<vmem>> -> memref<40x768xf32, #tpu.memory_space<vmem>>
    %dma_start3A_15 = tpu.memref_slice %arg8[%add3A_11] : memref<6400xi32, #tpu.memory_space<vmem>> -> memref<40xi32, #tpu.memory_space<vmem>>
    %dma_start3A_16 = arith.constant 0 : i32
    %dma_start3A_17 = arith.constant 0 : i32
    %dma_start3A_18 = tpu.memref_slice %arg3[%dma_start3A_16, %dma_start3A_17] : memref<30522x768xf32, #tpu.memory_space<hbm>> -> memref<30522x768xf32, #tpu.memory_space<hbm>>
    %dma_start3A_19 = tpu.memref_slice %arg13[%rem3A_4] : memref<3x!tpu.dma_semaphore, #tpu.memory_space<semaphore_mem>> -> memref<1x!tpu.dma_semaphore, #tpu.memory_space<semaphore_mem>>
    %dma_start3A_20 = tpu.memref_squeeze %dma_start3A_19 : memref<1x!tpu.dma_semaphore, #tpu.memory_space<semaphore_mem>> -> memref<!tpu.dma_semaphore, #tpu.memory_space<semaphore_mem>>
    tpu.enqueue_indirect_dma source(%dma_start3A_18 : memref<30522x768xf32, #tpu.memory_space<hbm>>) target(%dma_start3A_14 : memref<40x768xf32, #tpu.memory_space<vmem>>) offsets(%dma_start3A_15 : memref<40xi32, #tpu.memory_space<vmem>>) semaphore(%dma_start3A_20 : memref<!tpu.dma_semaphore, #tpu.memory_space<semaphore_mem>>)
    %rem3A_21 = arith.constant 1 : i32
    %rem3A_22 = arith.constant 3 : i32
    %rem3A_23 = arith.remsi %rem3A_21, %rem3A_22 : i32
    %rem3A_24 = arith.constant 1 : i32
    %rem3A_25 = arith.constant 32 : i32
    %rem3A_26 = arith.remsi %rem3A_24, %rem3A_25 : i32
    %mul3A_27 = arith.constant 200 : i32
    %mul3A_28 = arith.muli %rem3A_26, %mul3A_27 : i32
    %add3A_29 = arith.constant 0 : i32
    %add3A_30 = arith.addi %mul3A_28, %add3A_29 : i32
    %dma_start3A_31 = arith.constant 0 : i32
    %dma_start3A_32 = arith.constant 0 : i32
    %dma_start3A_33 = tpu.memref_slice %arg12[%rem3A_23, %dma_start3A_31, %dma_start3A_32] : memref<3x40x768xf32, #tpu.memory_space<vmem>> -> memref<1x40x768xf32, #tpu.memory_space<vmem>>
    %dma_start3A_34 = tpu.memref_squeeze %dma_start3A_33 : memref<1x40x768xf32, #tpu.memory_space<vmem>> -> memref<40x768xf32, #tpu.memory_space<vmem>>
    %dma_start3A_35 = tpu.memref_slice %arg8[%add3A_30] : memref<6400xi32, #tpu.memory_space<vmem>> -> memref<40xi32, #tpu.memory_space<vmem>>
    %dma_start3A_36 = arith.constant 0 : i32
    %dma_start3A_37 = arith.constant 0 : i32
    %dma_start3A_38 = tpu.memref_slice %arg3[%dma_start3A_36, %dma_start3A_37] : memref<30522x768xf32, #tpu.memory_space<hbm>> -> memref<30522x768xf32, #tpu.memory_space<hbm>>
    %dma_start3A_39 = tpu.memref_slice %arg13[%rem3A_23] : memref<3x!tpu.dma_semaphore, #tpu.memory_space<semaphore_mem>> -> memref<1x!tpu.dma_semaphore, #tpu.memory_space<semaphore_mem>>
    %dma_start3A_40 = tpu.memref_squeeze %dma_start3A_39 : memref<1x!tpu.dma_semaphore, #tpu.memory_space<semaphore_mem>> -> memref<!tpu.dma_semaphore, #tpu.memory_space<semaphore_mem>>
    tpu.enqueue_indirect_dma source(%dma_start3A_38 : memref<30522x768xf32, #tpu.memory_space<hbm>>) target(%dma_start3A_34 : memref<40x768xf32, #tpu.memory_space<vmem>>) offsets(%dma_start3A_35 : memref<40xi32, #tpu.memory_space<vmem>>) semaphore(%dma_start3A_40 : memref<!tpu.dma_semaphore, #tpu.memory_space<semaphore_mem>>)
    %scan3A = arith.constant 0 : i32
    %scan3A_41 = arith.constant 0 : i32
    %scan3A_42 = arith.constant 160 : i32
    %scan3A_43 = arith.addi %scan3A_41, %scan3A_42 : i32
    %scan3A_44 = arith.constant 1 : i32
    %scan3A_45 = scf.for %scan3A_97 = %scan3A_41 to %scan3A_43 step %scan3A_44 iter_args(%scan3A_98 = %scan3A) -> (i32)  : i32 {
      %rem3A_99 = arith.constant 3 : i32
      %rem3A_100 = arith.remsi %scan3A_97, %rem3A_99 : i32
      %rem3A_101 = arith.constant 32 : i32
      %rem3A_102 = arith.remsi %scan3A_97, %rem3A_101 : i32
      %eq3A = arith.constant 0 : i32
      %eq3A_103 = arith.cmpi eq, %rem3A_102, %eq3A : i32
      %gt3A = arith.constant 0 : i32
      %gt3A_104 = arith.cmpi sgt, %scan3A_97, %gt3A : i32
      %and3A = arith.andi %eq3A_103, %gt3A_104 : i1
      %convert_element_type3A = arith.extui %and3A : i1 to i32
      %cond3A = arith.constant 0 : i32
      %cond3A_105 = arith.cmpi ne, %convert_element_type3A, %cond3A : i32
      scf.if %cond3A_105 {
        %jit3A_173 = arith.constant 32 : i32
        %div3A_174 = arith.divsi %scan3A_97, %jit3A_173 : i32
        %sign3A_175 = arith.constant 0 : i32
        %sign3A_176 = arith.cmpi sgt, %scan3A_97, %sign3A_175 : i32
        %sign3A_177 = arith.extui %sign3A_176 : i1 to i32
        %sign3A_178 = arith.constant 0 : i32
        %sign3A_179 = arith.cmpi slt, %scan3A_97, %sign3A_178 : i32
        %sign3A_180 = arith.extui %sign3A_179 : i1 to i32
        %sign3A_181 = arith.subi %sign3A_177, %sign3A_180 : i32
        %sign3A_182 = arith.constant 0 : i32
        %sign3A_183 = arith.cmpi sgt, %jit3A_173, %sign3A_182 : i32
        %sign3A_184 = arith.extui %sign3A_183 : i1 to i32
        %sign3A_185 = arith.constant 0 : i32
        %sign3A_186 = arith.cmpi slt, %jit3A_173, %sign3A_185 : i32
        %sign3A_187 = arith.extui %sign3A_186 : i1 to i32
        %sign3A_188 = arith.subi %sign3A_184, %sign3A_187 : i32
        %ne3A_189 = arith.cmpi ne, %sign3A_181, %sign3A_188 : i32
        %rem3A_190 = arith.remsi %scan3A_97, %jit3A_173 : i32
        %ne3A_191 = arith.constant 0 : i32
        %ne3A_192 = arith.cmpi ne, %rem3A_190, %ne3A_191 : i32
        %and3A_193 = arith.andi %ne3A_189, %ne3A_192 : i1
        %sub3A_194 = arith.constant 1 : i32
        %sub3A_195 = arith.subi %div3A_174, %sub3A_194 : i32
        %select_n3A_196 = arith.select %and3A_193, %sub3A_195, %div3A_174 : i32
        %mul3A_197 = arith.constant 40 : i32
        %mul3A_198 = arith.muli %select_n3A_196, %mul3A_197 : i32
        "tpu.region"() ({
          %run_scoped3A = tpu.sem_alloc : memref<!tpu.dma_semaphore, #tpu.memory_space<semaphore_mem>>
          %dma_start3A_199 = arith.constant 0 : i32
          %dma_start3A_200 = tpu.memref_slice %arg4[%mul3A_198, %dma_start3A_199] : memref<512x768xf32, #tpu.memory_space<hbm>> -> memref<40x768xf32, #tpu.memory_space<hbm>>
          %dma_start3A_201 = arith.constant 0 : i32
          %dma_start3A_202 = tpu.memref_slice %arg4[%mul3A_198, %dma_start3A_201] : memref<512x768xf32, #tpu.memory_space<hbm>> -> memref<40x768xf32, #tpu.memory_space<hbm>>
          tpu.enqueue_dma source(%dma_start3A_202 : memref<40x768xf32, #tpu.memory_space<hbm>>) target(%arg9 : memref<40x768xf32, #tpu.memory_space<vmem>>) target_semaphore(%run_scoped3A : memref<!tpu.dma_semaphore, #tpu.memory_space<semaphore_mem>>)
          %dma_wait3A_203 = arith.constant 0 : i32
          %dma_wait3A_204 = tpu.memref_slice %arg4[%mul3A_198, %dma_wait3A_203] : memref<512x768xf32, #tpu.memory_space<hbm>> -> memref<40x768xf32, #tpu.memory_space<hbm>>
          %dma_wait3A_205 = arith.constant 0 : i32
          %dma_wait3A_206 = tpu.memref_slice %arg4[%mul3A_198, %dma_wait3A_205] : memref<512x768xf32, #tpu.memory_space<hbm>> -> memref<40x768xf32, #tpu.memory_space<hbm>>
          tpu.wait_dma2 semaphore(%run_scoped3A : memref<!tpu.dma_semaphore, #tpu.memory_space<semaphore_mem>>) src(%dma_wait3A_206 : memref<40x768xf32, #tpu.memory_space<hbm>>) dst(%arg9 : memref<40x768xf32, #tpu.memory_space<vmem>>)
          tpu.yield
        }) : () -> ()
      } else {
      }
      %rem3A_106 = arith.constant 3 : i32
      %rem3A_107 = arith.remsi %scan3A_97, %rem3A_106 : i32
      %dma_wait3A_108 = arith.constant 0 : i32
      %dma_wait3A_109 = arith.constant 0 : i32
      %dma_wait3A_110 = tpu.memref_slice %arg12[%rem3A_107, %dma_wait3A_108, %dma_wait3A_109] : memref<3x40x768xf32, #tpu.memory_space<vmem>> -> memref<1x40x768xf32, #tpu.memory_space<vmem>>
      %dma_wait3A_111 = tpu.memref_squeeze %dma_wait3A_110 : memref<1x40x768xf32, #tpu.memory_space<vmem>> -> memref<40x768xf32, #tpu.memory_space<vmem>>
      %dma_wait3A_112 = arith.constant 0 : i32
      %dma_wait3A_113 = tpu.memref_slice %arg8[%dma_wait3A_112] : memref<6400xi32, #tpu.memory_space<vmem>> -> memref<40xi32, #tpu.memory_space<vmem>>
      %dma_wait3A_114 = arith.constant 0 : i32
      %dma_wait3A_115 = arith.constant 0 : i32
      %dma_wait3A_116 = tpu.memref_slice %arg3[%dma_wait3A_114, %dma_wait3A_115] : memref<30522x768xf32, #tpu.memory_space<hbm>> -> memref<30522x768xf32, #tpu.memory_space<hbm>>
      %dma_wait3A_117 = tpu.memref_slice %arg13[%rem3A_107] : memref<3x!tpu.dma_semaphore, #tpu.memory_space<semaphore_mem>> -> memref<1x!tpu.dma_semaphore, #tpu.memory_space<semaphore_mem>>
      %dma_wait3A_118 = tpu.memref_squeeze %dma_wait3A_117 : memref<1x!tpu.dma_semaphore, #tpu.memory_space<semaphore_mem>> -> memref<!tpu.dma_semaphore, #tpu.memory_space<semaphore_mem>>
      tpu.wait_indirect_dma semaphore(%dma_wait3A_118 : memref<!tpu.dma_semaphore, #tpu.memory_space<semaphore_mem>>) src(%dma_wait3A_116 : memref<30522x768xf32, #tpu.memory_space<hbm>>) dst(%dma_wait3A_111 : memref<40x768xf32, #tpu.memory_space<vmem>>)
      %rem3A_119 = arith.constant 3 : i32
      %rem3A_120 = arith.remsi %scan3A_97, %rem3A_119 : i32
      %jit3A = arith.constant 32 : i32
      %div3A = arith.divsi %scan3A_97, %jit3A : i32
      %sign3A = arith.constant 0 : i32
      %sign3A_121 = arith.cmpi sgt, %scan3A_97, %sign3A : i32
      %sign3A_122 = arith.extui %sign3A_121 : i1 to i32
      %sign3A_123 = arith.constant 0 : i32
      %sign3A_124 = arith.cmpi slt, %scan3A_97, %sign3A_123 : i32
      %sign3A_125 = arith.extui %sign3A_124 : i1 to i32
      %sign3A_126 = arith.subi %sign3A_122, %sign3A_125 : i32
      %sign3A_127 = arith.constant 0 : i32
      %sign3A_128 = arith.cmpi sgt, %jit3A, %sign3A_127 : i32
      %sign3A_129 = arith.extui %sign3A_128 : i1 to i32
      %sign3A_130 = arith.constant 0 : i32
      %sign3A_131 = arith.cmpi slt, %jit3A, %sign3A_130 : i32
      %sign3A_132 = arith.extui %sign3A_131 : i1 to i32
      %sign3A_133 = arith.subi %sign3A_129, %sign3A_132 : i32
      %ne3A = arith.cmpi ne, %sign3A_126, %sign3A_133 : i32
      %rem3A_134 = arith.remsi %scan3A_97, %jit3A : i32
      %ne3A_135 = arith.constant 0 : i32
      %ne3A_136 = arith.cmpi ne, %rem3A_134, %ne3A_135 : i32
      %and3A_137 = arith.andi %ne3A, %ne3A_136 : i1
      %sub3A = arith.constant 1 : i32
      %sub3A_138 = arith.subi %div3A, %sub3A : i32
      %select_n3A = arith.select %and3A_137, %sub3A_138, %div3A : i32
      %rem3A_139 = arith.constant 32 : i32
      %rem3A_140 = arith.remsi %scan3A_97, %rem3A_139 : i32
      %mul3A_141 = arith.constant 200 : i32
      %mul3A_142 = arith.muli %rem3A_140, %mul3A_141 : i32
      %mul3A_143 = arith.constant 40 : i32
      %mul3A_144 = arith.muli %select_n3A, %mul3A_143 : i32
      %add3A_145 = arith.addi %mul3A_142, %mul3A_144 : i32
      %add3A_146 = arith.addi %mul3A_2, %add3A_145 : i32
      %dma_start3A_147 = arith.constant 0 : i32
      %dma_start3A_148 = arith.constant 0 : i32
      %dma_start3A_149 = tpu.memref_slice %arg12[%rem3A_120, %dma_start3A_147, %dma_start3A_148] : memref<3x40x768xf32, #tpu.memory_space<vmem>> -> memref<1x40x768xf32, #tpu.memory_space<vmem>>
      %dma_start3A_150 = tpu.memref_squeeze %dma_start3A_149 : memref<1x40x768xf32, #tpu.memory_space<vmem>> -> memref<40x768xf32, #tpu.memory_space<vmem>>
      %dma_start3A_151 = arith.constant 0 : i32
      %dma_start3A_152 = tpu.memref_slice %arg7[%add3A_146, %dma_start3A_151] : memref<204800x768xf32, #tpu.memory_space<hbm>> -> memref<40x768xf32, #tpu.memory_space<hbm>>
      %dma_start3A_153 = tpu.memref_slice %arg14[%rem3A_120] : memref<3x!tpu.dma_semaphore, #tpu.memory_space<semaphore_mem>> -> memref<1x!tpu.dma_semaphore, #tpu.memory_space<semaphore_mem>>
      %dma_start3A_154 = tpu.memref_squeeze %dma_start3A_153 : memref<1x!tpu.dma_semaphore, #tpu.memory_space<semaphore_mem>> -> memref<!tpu.dma_semaphore, #tpu.memory_space<semaphore_mem>>
      %dma_start3A_155 = arith.constant 0 : i32
      %dma_start3A_156 = tpu.memref_slice %arg7[%add3A_146, %dma_start3A_155] : memref<204800x768xf32, #tpu.memory_space<hbm>> -> memref<40x768xf32, #tpu.memory_space<hbm>>
      %dma_start3A_157 = arith.constant 0 : i32
      %dma_start3A_158 = arith.constant 0 : i32
      %dma_start3A_159 = tpu.memref_slice %arg12[%rem3A_120, %dma_start3A_157, %dma_start3A_158] : memref<3x40x768xf32, #tpu.memory_space<vmem>> -> memref<1x40x768xf32, #tpu.memory_space<vmem>>
      %dma_start3A_160 = tpu.memref_squeeze %dma_start3A_159 : memref<1x40x768xf32, #tpu.memory_space<vmem>> -> memref<40x768xf32, #tpu.memory_space<vmem>>
      tpu.enqueue_dma source(%dma_start3A_160 : memref<40x768xf32, #tpu.memory_space<vmem>>) target(%dma_start3A_156 : memref<40x768xf32, #tpu.memory_space<hbm>>) target_semaphore(%dma_start3A_154 : memref<!tpu.dma_semaphore, #tpu.memory_space<semaphore_mem>>)
      %eq3A_161 = arith.constant 0 : i32
      %eq3A_162 = arith.cmpi eq, %scan3A_97, %eq3A_161 : i32
      %convert_element_type3A_163 = arith.extui %eq3A_162 : i1 to i32
      %cond3A_164 = arith.constant 0 : i32
      %cond3A_165 = arith.cmpi ne, %convert_element_type3A_163, %cond3A_164 : i32
      scf.if %cond3A_165 {
        %rem3A_173 = arith.constant 2 : i32
        %rem3A_174 = arith.constant 3 : i32
        %rem3A_175 = arith.remsi %rem3A_173, %rem3A_174 : i32
        %rem3A_176 = arith.constant 2 : i32
        %rem3A_177 = arith.constant 32 : i32
        %rem3A_178 = arith.remsi %rem3A_176, %rem3A_177 : i32
        %mul3A_179 = arith.constant 200 : i32
        %mul3A_180 = arith.muli %rem3A_178, %mul3A_179 : i32
        %add3A_181 = arith.constant 0 : i32
        %add3A_182 = arith.addi %mul3A_180, %add3A_181 : i32
        %dma_start3A_183 = arith.constant 0 : i32
        %dma_start3A_184 = arith.constant 0 : i32
        %dma_start3A_185 = tpu.memref_slice %arg12[%rem3A_175, %dma_start3A_183, %dma_start3A_184] : memref<3x40x768xf32, #tpu.memory_space<vmem>> -> memref<1x40x768xf32, #tpu.memory_space<vmem>>
        %dma_start3A_186 = tpu.memref_squeeze %dma_start3A_185 : memref<1x40x768xf32, #tpu.memory_space<vmem>> -> memref<40x768xf32, #tpu.memory_space<vmem>>
        %dma_start3A_187 = tpu.memref_slice %arg8[%add3A_182] : memref<6400xi32, #tpu.memory_space<vmem>> -> memref<40xi32, #tpu.memory_space<vmem>>
        %dma_start3A_188 = arith.constant 0 : i32
        %dma_start3A_189 = arith.constant 0 : i32
        %dma_start3A_190 = tpu.memref_slice %arg3[%dma_start3A_188, %dma_start3A_189] : memref<30522x768xf32, #tpu.memory_space<hbm>> -> memref<30522x768xf32, #tpu.memory_space<hbm>>
        %dma_start3A_191 = tpu.memref_slice %arg13[%rem3A_175] : memref<3x!tpu.dma_semaphore, #tpu.memory_space<semaphore_mem>> -> memref<1x!tpu.dma_semaphore, #tpu.memory_space<semaphore_mem>>
        %dma_start3A_192 = tpu.memref_squeeze %dma_start3A_191 : memref<1x!tpu.dma_semaphore, #tpu.memory_space<semaphore_mem>> -> memref<!tpu.dma_semaphore, #tpu.memory_space<semaphore_mem>>
        tpu.enqueue_indirect_dma source(%dma_start3A_190 : memref<30522x768xf32, #tpu.memory_space<hbm>>) target(%dma_start3A_186 : memref<40x768xf32, #tpu.memory_space<vmem>>) offsets(%dma_start3A_187 : memref<40xi32, #tpu.memory_space<vmem>>) semaphore(%dma_start3A_192 : memref<!tpu.dma_semaphore, #tpu.memory_space<semaphore_mem>>)
      } else {
      }
      %ge3A = arith.constant 1 : i32
      %ge3A_166 = arith.cmpi sge, %scan3A_97, %ge3A : i32
      %le3A = arith.constant 157 : i32
      %le3A_167 = arith.cmpi sle, %scan3A_97, %le3A : i32
      %and3A_168 = arith.andi %ge3A_166, %le3A_167 : i1
      %convert_element_type3A_169 = arith.extui %and3A_168 : i1 to i32
      %cond3A_170 = arith.constant 0 : i32
      %cond3A_171 = arith.cmpi ne, %convert_element_type3A_169, %cond3A_170 : i32
      scf.if %cond3A_171 {
        %sub3A_173 = arith.constant 1 : i32
        %sub3A_174 = arith.subi %scan3A_97, %sub3A_173 : i32
        %rem3A_175 = arith.constant 3 : i32
        %rem3A_176 = arith.remsi %sub3A_174, %rem3A_175 : i32
        %dma_wait3A_177 = arith.constant 0 : i32
        %dma_wait3A_178 = arith.constant 0 : i32
        %dma_wait3A_179 = tpu.memref_slice %arg12[%rem3A_176, %dma_wait3A_177, %dma_wait3A_178] : memref<3x40x768xf32, #tpu.memory_space<vmem>> -> memref<1x40x768xf32, #tpu.memory_space<vmem>>
        %dma_wait3A_180 = tpu.memref_squeeze %dma_wait3A_179 : memref<1x40x768xf32, #tpu.memory_space<vmem>> -> memref<40x768xf32, #tpu.memory_space<vmem>>
        %dma_wait3A_181 = arith.constant 0 : i32
        %dma_wait3A_182 = tpu.memref_slice %arg7[%mul3A_2, %dma_wait3A_181] : memref<204800x768xf32, #tpu.memory_space<hbm>> -> memref<40x768xf32, #tpu.memory_space<hbm>>
        %dma_wait3A_183 = tpu.memref_slice %arg14[%rem3A_176] : memref<3x!tpu.dma_semaphore, #tpu.memory_space<semaphore_mem>> -> memref<1x!tpu.dma_semaphore, #tpu.memory_space<semaphore_mem>>
        %dma_wait3A_184 = tpu.memref_squeeze %dma_wait3A_183 : memref<1x!tpu.dma_semaphore, #tpu.memory_space<semaphore_mem>> -> memref<!tpu.dma_semaphore, #tpu.memory_space<semaphore_mem>>
        %dma_wait3A_185 = arith.constant 0 : i32
        %dma_wait3A_186 = tpu.memref_slice %arg7[%mul3A_2, %dma_wait3A_185] : memref<204800x768xf32, #tpu.memory_space<hbm>> -> memref<40x768xf32, #tpu.memory_space<hbm>>
        %dma_wait3A_187 = arith.constant 0 : i32
        %dma_wait3A_188 = arith.constant 0 : i32
        %dma_wait3A_189 = tpu.memref_slice %arg12[%rem3A_176, %dma_wait3A_187, %dma_wait3A_188] : memref<3x40x768xf32, #tpu.memory_space<vmem>> -> memref<1x40x768xf32, #tpu.memory_space<vmem>>
        %dma_wait3A_190 = tpu.memref_squeeze %dma_wait3A_189 : memref<1x40x768xf32, #tpu.memory_space<vmem>> -> memref<40x768xf32, #tpu.memory_space<vmem>>
        tpu.wait_dma2 semaphore(%dma_wait3A_184 : memref<!tpu.dma_semaphore, #tpu.memory_space<semaphore_mem>>) src(%dma_wait3A_190 : memref<40x768xf32, #tpu.memory_space<vmem>>) dst(%dma_wait3A_186 : memref<40x768xf32, #tpu.memory_space<hbm>>)
        %add3A_191 = arith.constant 2 : i32
        %add3A_192 = arith.addi %scan3A_97, %add3A_191 : i32
        %rem3A_193 = arith.constant 3 : i32
        %rem3A_194 = arith.remsi %add3A_192, %rem3A_193 : i32
        %jit3A_195 = arith.constant 32 : i32
        %div3A_196 = arith.divsi %add3A_192, %jit3A_195 : i32
        %sign3A_197 = arith.constant 0 : i32
        %sign3A_198 = arith.cmpi sgt, %add3A_192, %sign3A_197 : i32
        %sign3A_199 = arith.extui %sign3A_198 : i1 to i32
        %sign3A_200 = arith.constant 0 : i32
        %sign3A_201 = arith.cmpi slt, %add3A_192, %sign3A_200 : i32
        %sign3A_202 = arith.extui %sign3A_201 : i1 to i32
        %sign3A_203 = arith.subi %sign3A_199, %sign3A_202 : i32
        %sign3A_204 = arith.constant 0 : i32
        %sign3A_205 = arith.cmpi sgt, %jit3A_195, %sign3A_204 : i32
        %sign3A_206 = arith.extui %sign3A_205 : i1 to i32
        %sign3A_207 = arith.constant 0 : i32
        %sign3A_208 = arith.cmpi slt, %jit3A_195, %sign3A_207 : i32
        %sign3A_209 = arith.extui %sign3A_208 : i1 to i32
        %sign3A_210 = arith.subi %sign3A_206, %sign3A_209 : i32
        %ne3A_211 = arith.cmpi ne, %sign3A_203, %sign3A_210 : i32
        %rem3A_212 = arith.remsi %add3A_192, %jit3A_195 : i32
        %ne3A_213 = arith.constant 0 : i32
        %ne3A_214 = arith.cmpi ne, %rem3A_212, %ne3A_213 : i32
        %and3A_215 = arith.andi %ne3A_211, %ne3A_214 : i1
        %sub3A_216 = arith.constant 1 : i32
        %sub3A_217 = arith.subi %div3A_196, %sub3A_216 : i32
        %select_n3A_218 = arith.select %and3A_215, %sub3A_217, %div3A_196 : i32
        %rem3A_219 = arith.constant 32 : i32
        %rem3A_220 = arith.remsi %add3A_192, %rem3A_219 : i32
        %mul3A_221 = arith.constant 200 : i32
        %mul3A_222 = arith.muli %rem3A_220, %mul3A_221 : i32
        %mul3A_223 = arith.constant 40 : i32
        %mul3A_224 = arith.muli %select_n3A_218, %mul3A_223 : i32
        %add3A_225 = arith.addi %mul3A_222, %mul3A_224 : i32
        %dma_start3A_226 = arith.constant 0 : i32
        %dma_start3A_227 = arith.constant 0 : i32
        %dma_start3A_228 = tpu.memref_slice %arg12[%rem3A_194, %dma_start3A_226, %dma_start3A_227] : memref<3x40x768xf32, #tpu.memory_space<vmem>> -> memref<1x40x768xf32, #tpu.memory_space<vmem>>
        %dma_start3A_229 = tpu.memref_squeeze %dma_start3A_228 : memref<1x40x768xf32, #tpu.memory_space<vmem>> -> memref<40x768xf32, #tpu.memory_space<vmem>>
        %dma_start3A_230 = tpu.memref_slice %arg8[%add3A_225] : memref<6400xi32, #tpu.memory_space<vmem>> -> memref<40xi32, #tpu.memory_space<vmem>>
        %dma_start3A_231 = arith.constant 0 : i32
        %dma_start3A_232 = arith.constant 0 : i32
        %dma_start3A_233 = tpu.memref_slice %arg3[%dma_start3A_231, %dma_start3A_232] : memref<30522x768xf32, #tpu.memory_space<hbm>> -> memref<30522x768xf32, #tpu.memory_space<hbm>>
        %dma_start3A_234 = tpu.memref_slice %arg13[%rem3A_194] : memref<3x!tpu.dma_semaphore, #tpu.memory_space<semaphore_mem>> -> memref<1x!tpu.dma_semaphore, #tpu.memory_space<semaphore_mem>>
        %dma_start3A_235 = tpu.memref_squeeze %dma_start3A_234 : memref<1x!tpu.dma_semaphore, #tpu.memory_space<semaphore_mem>> -> memref<!tpu.dma_semaphore, #tpu.memory_space<semaphore_mem>>
        tpu.enqueue_indirect_dma source(%dma_start3A_233 : memref<30522x768xf32, #tpu.memory_space<hbm>>) target(%dma_start3A_229 : memref<40x768xf32, #tpu.memory_space<vmem>>) offsets(%dma_start3A_230 : memref<40xi32, #tpu.memory_space<vmem>>) semaphore(%dma_start3A_235 : memref<!tpu.dma_semaphore, #tpu.memory_space<semaphore_mem>>)
      } else {
      }
      %scan3A_172 = arith.constant 0 : i32
      scf.yield %scan3A_172 : i32
    }
    %scan3A_46 = arith.constant 160 : i32
    %rem3A_47 = arith.constant 157 : i32
    %rem3A_48 = arith.constant 3 : i32
    %rem3A_49 = arith.remsi %rem3A_47, %rem3A_48 : i32
    %dma_wait3A = arith.constant 0 : i32
    %dma_wait3A_50 = arith.constant 0 : i32
    %dma_wait3A_51 = tpu.memref_slice %arg12[%rem3A_49, %dma_wait3A, %dma_wait3A_50] : memref<3x40x768xf32, #tpu.memory_space<vmem>> -> memref<1x40x768xf32, #tpu.memory_space<vmem>>
    %dma_wait3A_52 = tpu.memref_squeeze %dma_wait3A_51 : memref<1x40x768xf32, #tpu.memory_space<vmem>> -> memref<40x768xf32, #tpu.memory_space<vmem>>
    %dma_wait3A_53 = arith.constant 0 : i32
    %dma_wait3A_54 = tpu.memref_slice %arg7[%mul3A_2, %dma_wait3A_53] : memref<204800x768xf32, #tpu.memory_space<hbm>> -> memref<40x768xf32, #tpu.memory_space<hbm>>
    %dma_wait3A_55 = tpu.memref_slice %arg14[%rem3A_49] : memref<3x!tpu.dma_semaphore, #tpu.memory_space<semaphore_mem>> -> memref<1x!tpu.dma_semaphore, #tpu.memory_space<semaphore_mem>>
    %dma_wait3A_56 = tpu.memref_squeeze %dma_wait3A_55 : memref<1x!tpu.dma_semaphore, #tpu.memory_space<semaphore_mem>> -> memref<!tpu.dma_semaphore, #tpu.memory_space<semaphore_mem>>
    %dma_wait3A_57 = arith.constant 0 : i32
    %dma_wait3A_58 = tpu.memref_slice %arg7[%mul3A_2, %dma_wait3A_57] : memref<204800x768xf32, #tpu.memory_space<hbm>> -> memref<40x768xf32, #tpu.memory_space<hbm>>
    %dma_wait3A_59 = arith.constant 0 : i32
    %dma_wait3A_60 = arith.constant 0 : i32
    %dma_wait3A_61 = tpu.memref_slice %arg12[%rem3A_49, %dma_wait3A_59, %dma_wait3A_60] : memref<3x40x768xf32, #tpu.memory_space<vmem>> -> memref<1x40x768xf32, #tpu.memory_space<vmem>>
    %dma_wait3A_62 = tpu.memref_squeeze %dma_wait3A_61 : memref<1x40x768xf32, #tpu.memory_space<vmem>> -> memref<40x768xf32, #tpu.memory_space<vmem>>
    tpu.wait_dma2 semaphore(%dma_wait3A_56 : memref<!tpu.dma_semaphore, #tpu.memory_space<semaphore_mem>>) src(%dma_wait3A_62 : memref<40x768xf32, #tpu.memory_space<vmem>>) dst(%dma_wait3A_58 : memref<40x768xf32, #tpu.memory_space<hbm>>)
    %rem3A_63 = arith.constant 158 : i32
    %rem3A_64 = arith.constant 3 : i32
    %rem3A_65 = arith.remsi %rem3A_63, %rem3A_64 : i32
    %dma_wait3A_66 = arith.constant 0 : i32
    %dma_wait3A_67 = arith.constant 0 : i32
    %dma_wait3A_68 = tpu.memref_slice %arg12[%rem3A_65, %dma_wait3A_66, %dma_wait3A_67] : memref<3x40x768xf32, #tpu.memory_space<vmem>> -> memref<1x40x768xf32, #tpu.memory_space<vmem>>
    %dma_wait3A_69 = tpu.memref_squeeze %dma_wait3A_68 : memref<1x40x768xf32, #tpu.memory_space<vmem>> -> memref<40x768xf32, #tpu.memory_space<vmem>>
    %dma_wait3A_70 = arith.constant 0 : i32
    %dma_wait3A_71 = tpu.memref_slice %arg7[%mul3A_2, %dma_wait3A_70] : memref<204800x768xf32, #tpu.memory_space<hbm>> -> memref<40x768xf32, #tpu.memory_space<hbm>>
    %dma_wait3A_72 = tpu.memref_slice %arg14[%rem3A_65] : memref<3x!tpu.dma_semaphore, #tpu.memory_space<semaphore_mem>> -> memref<1x!tpu.dma_semaphore, #tpu.memory_space<semaphore_mem>>
    %dma_wait3A_73 = tpu.memref_squeeze %dma_wait3A_72 : memref<1x!tpu.dma_semaphore, #tpu.memory_space<semaphore_mem>> -> memref<!tpu.dma_semaphore, #tpu.memory_space<semaphore_mem>>
    %dma_wait3A_74 = arith.constant 0 : i32
    %dma_wait3A_75 = tpu.memref_slice %arg7[%mul3A_2, %dma_wait3A_74] : memref<204800x768xf32, #tpu.memory_space<hbm>> -> memref<40x768xf32, #tpu.memory_space<hbm>>
    %dma_wait3A_76 = arith.constant 0 : i32
    %dma_wait3A_77 = arith.constant 0 : i32
    %dma_wait3A_78 = tpu.memref_slice %arg12[%rem3A_65, %dma_wait3A_76, %dma_wait3A_77] : memref<3x40x768xf32, #tpu.memory_space<vmem>> -> memref<1x40x768xf32, #tpu.memory_space<vmem>>
    %dma_wait3A_79 = tpu.memref_squeeze %dma_wait3A_78 : memref<1x40x768xf32, #tpu.memory_space<vmem>> -> memref<40x768xf32, #tpu.memory_space<vmem>>
    tpu.wait_dma2 semaphore(%dma_wait3A_73 : memref<!tpu.dma_semaphore, #tpu.memory_space<semaphore_mem>>) src(%dma_wait3A_79 : memref<40x768xf32, #tpu.memory_space<vmem>>) dst(%dma_wait3A_75 : memref<40x768xf32, #tpu.memory_space<hbm>>)
    %rem3A_80 = arith.constant 159 : i32
    %rem3A_81 = arith.constant 3 : i32
    %rem3A_82 = arith.remsi %rem3A_80, %rem3A_81 : i32
    %dma_wait3A_83 = arith.constant 0 : i32
    %dma_wait3A_84 = arith.constant 0 : i32
    %dma_wait3A_85 = tpu.memref_slice %arg12[%rem3A_82, %dma_wait3A_83, %dma_wait3A_84] : memref<3x40x768xf32, #tpu.memory_space<vmem>> -> memref<1x40x768xf32, #tpu.memory_space<vmem>>
    %dma_wait3A_86 = tpu.memref_squeeze %dma_wait3A_85 : memref<1x40x768xf32, #tpu.memory_space<vmem>> -> memref<40x768xf32, #tpu.memory_space<vmem>>
    %dma_wait3A_87 = arith.constant 0 : i32
    %dma_wait3A_88 = tpu.memref_slice %arg7[%mul3A_2, %dma_wait3A_87] : memref<204800x768xf32, #tpu.memory_space<hbm>> -> memref<40x768xf32, #tpu.memory_space<hbm>>
    %dma_wait3A_89 = tpu.memref_slice %arg14[%rem3A_82] : memref<3x!tpu.dma_semaphore, #tpu.memory_space<semaphore_mem>> -> memref<1x!tpu.dma_semaphore, #tpu.memory_space<semaphore_mem>>
    %dma_wait3A_90 = tpu.memref_squeeze %dma_wait3A_89 : memref<1x!tpu.dma_semaphore, #tpu.memory_space<semaphore_mem>> -> memref<!tpu.dma_semaphore, #tpu.memory_space<semaphore_mem>>
    %dma_wait3A_91 = arith.constant 0 : i32
    %dma_wait3A_92 = tpu.memref_slice %arg7[%mul3A_2, %dma_wait3A_91] : memref<204800x768xf32, #tpu.memory_space<hbm>> -> memref<40x768xf32, #tpu.memory_space<hbm>>
    %dma_wait3A_93 = arith.constant 0 : i32
    %dma_wait3A_94 = arith.constant 0 : i32
    %dma_wait3A_95 = tpu.memref_slice %arg12[%rem3A_82, %dma_wait3A_93, %dma_wait3A_94] : memref<3x40x768xf32, #tpu.memory_space<vmem>> -> memref<1x40x768xf32, #tpu.memory_space<vmem>>
    %dma_wait3A_96 = tpu.memref_squeeze %dma_wait3A_95 : memref<1x40x768xf32, #tpu.memory_space<vmem>> -> memref<40x768xf32, #tpu.memory_space<vmem>>
    tpu.wait_dma2 semaphore(%dma_wait3A_90 : memref<!tpu.dma_semaphore, #tpu.memory_space<semaphore_mem>>) src(%dma_wait3A_96 : memref<40x768xf32, #tpu.memory_space<vmem>>) dst(%dma_wait3A_92 : memref<40x768xf32, #tpu.memory_space<hbm>>)
    return
  }
}

</mosaic_0001>

<sc_bundles>
// kernel: kernel.3.cloned.1.call-start
scs
__scs_entry_jumppad:
0x0: {  	(pc) =	sbr.rel $0x88, $3  }
0x1: {  	(tag) =	ssettag $0x0;
	lr =	simm.s32 $0x1  }
0x2: {  	[smem:$0x3F9C] =	sst lr;
	_ =	strace $0xD0000000  }
0x3: {  	_ = 	snop  }
0x4: {  	_ = 	snop  }
0x5: {  	_ = 	snop  }
0x6: {  	_ = 	snop  }
0x7: {  	_ = 	snop  }
__scs_overlays_trampoline_lowered:
0x8: {  	[smem:$0x3FAB] =	sst s0  }
0x9: {  	[smem:$0x3FAC] =	sst s1  }
0xa: {  	[smem:$0x3FAD] =	sst s2  }
0xb: {  	[smem:$0x3FAE] =	sst s3  }
0xc: {  	[smem:$0x3FAF] =	sst s4  }
0xd: {  	[smem:$0x3FB0] =	sst s5  }
0xe: {  	[smem:$0x3FB1] =	sst s6  }
0xf: {  	[smem:$0x3FB2] =	sst s7  }
0x10: {  	[smem:$0x3FB3] =	sst s8  }
0x11: {  	[smem:$0x3FB4] =	sst s9;
	s0 =	simm.s32 @!p0 $0x0  }
0x12: {  	s1 =	sld [smem:$0x3F9A];
	s0 =	simm.s32 @p0 $0x1  }
0x13: {  	[smem:$0x3FB5] =	sst s0;
	s0 =	simm.s32 @!p1 $0x0  }
0x14: {  	s2 =	sld [smem:$0x3F99];
	s0 =	simm.s32 @p1 $0x1  }
0x15: {  	[smem:$0x3FB6] =	sst s0;
	s0 =	simm.s32 @!p2 $0x0  }
0x16: {  	s3 =	sld [smem:$0x3FDB];
	s0 =	simm.s32 @p2 $0x1  }
0x17: {  	s4 =	simm.s32 $0x1BF5;
	[smem:$0x3FB8] =	sst s0  }
0x18: {  	s0 =	sld [smem:$0x3F9B];
	_ =	swait.ge [sflag:s4], $0x0  }
0x19: {  	s7 =	sld [smem:$0x3F9C]  }
0x1a: {  	s8 =	sadd.s32 $0xFFFFE003, lr  }
0x1b: {  	s9 =	sadd.s32 $0xFFFFFEF7, lr;
	s5 =	simm.s32 $0xFFFFFFFF;
	p2 =	slt.u32 s8, $0xFFFFF086  }
0x1c: {  	p1 =	slt.u32 s9, $0xF7A;
	s5 =	simm.s32 @!p2 $0x0  }
0x1d: {  	s5 =	simm.s32 @p1 $0x1;
	p0 =	seq.s32 s7, s2  }
0x1e: {  	s7 =	smul.u32 @!p0 $0xF7A, s2;
	p2 =	seq.s32 @!p0 s5, $0x0  }
0x1f: {  	s9 =	smul.u32 $0xF7A, s1;
	s8 =	simm.s32 @!p0 $0x1BF5;
	p2 =	por !p2, p0  }
0x20: {  	[sflag:s8] =	ssyncset.s32 @!p0 $0xFFFFF086;
	s6 =	sadd.s32 @!p0 s3, s7;
	s7 =	simm.s32 @!p0 $0x108  }
0x21: {  	s3 =	sadd.s32 s3, s9;
	s6 =	sadd.s32 @!p0 $0x88, s6;
	s7 =	simm.s32 @p2 $0x1082  }
0x22: {  	[simem:s7], [sflag:s8] =	dma.local @!p0 [hbm:s6], $0xF7A  }
0x23: {  	s9 =	sor.u32 $0xD0000000, s2;
	s6 =	simm.s32 $0x108;
	_ =	swait.ge @!p0 [sflag:s8], $0x0  }
0x24: {  	s3 =	sadd.s32 $0x88, s3;
	s6 =	simm.s32 @!p1 $0x1082;
	[sflag:s4] =	ssyncset.s32 $0xFFFFF086  }
0x25: {  	[simem:s6], [sflag:s4] =	dma.local [hbm:s3], $0xF7A  }
0x26: {  	[smem:$0x3F9C] =	sst s1;
	(tag) =	ssettag s2;
	_ =	strace s9  }
0x27: {  	s1 =	sld [smem:$0x3FAC]  }
0x28: {  	s2 =	sld [smem:$0x3FAD]  }
0x29: {  	s4 =	sld [smem:$0x3FAF]  }
0x2a: {  	p0 =	seq.s32 s5, $0x0;
	s5 =	sld [smem:$0x3FB0]  }
0x2b: {  	s6 =	sld [smem:$0x3FB1]  }
0x2c: {  	s7 =	sld [smem:$0x3FB2]  }
0x2d: {  	s3 =	simm.s32 $0x108;
	s8 =	sld [smem:$0x3FB3]  }
0x2e: {  	s3 =	simm.s32 @!p0 $0x1082;
	s9 =	sld [smem:$0x3FB4]  }
0x2f: {  	lr =	sadd.s32 s0, s3;
	s0 =	sld [smem:$0x3FAB]  }
0x30: {  	s3 =	sld [smem:$0x3FAE]  }
0x31: {  	[smem:$0x3FB7] =	sst s10  }
0x32: {  	s10 =	sld [smem:$0x3FB5];
	_ =	sdelay $0x3  }
0x33: {  	p0 =	seq.s32 s10, $0x1;
	s10 =	sld [smem:$0x3FB7];
	_ =	sdelay $0x3  }
0x34: {  	[smem:$0x3FB7] =	sst s10  }
0x35: {  	s10 =	sld [smem:$0x3FB6];
	_ =	sdelay $0x3  }
0x36: {  	p1 =	seq.s32 s10, $0x1;
	s10 =	sld [smem:$0x3FB7];
	_ =	sdelay $0x3  }
0x37: {  	[smem:$0x3FB7] =	sst s10  }
0x38: {  	s10 =	sld [smem:$0x3FB8]  }
0x39: {  	_ = 	snop;
	(pc) =	sbr.ind lr, $3  }
0x3a: {  	_ = 	snop  }
0x3b: {  	_ = 	snop  }
0x3c: {  	p2 =	seq.s32 s10, $0x1;
	s10 =	sld [smem:$0x3FB7]  }
0x3d: {  	_ =	shalt  }
0x3e: {  	_ =	shalt  }
0x3f: {  	_ =	shalt  }
0x40: {  	_ =	shalt  }
0x41: {  	_ =	shalt  }
0x42: {  	_ =	shalt  }
0x43: {  	_ =	shalt  }
0x44: {  	_ =	shalt  }
0x45: {  	_ =	shalt  }
0x46: {  	_ =	shalt  }
0x47: {  	_ =	shalt  }
0x48: {  	_ =	shalt  }
0x49: {  	_ =	shalt  }
0x4a: {  	_ =	shalt  }
0x4b: {  	_ =	shalt  }
0x4c: {  	_ =	shalt  }
0x4d: {  	_ =	shalt  }
0x4e: {  	_ =	shalt  }
0x4f: {  	_ =	shalt  }
0x50: {  	_ =	shalt  }
0x51: {  	_ =	shalt  }
0x52: {  	_ =	shalt  }
0x53: {  	_ =	shalt  }
0x54: {  	_ =	shalt  }
0x55: {  	_ =	shalt  }
0x56: {  	_ =	shalt  }
0x57: {  	_ =	shalt  }
0x58: {  	_ =	shalt  }
0x59: {  	_ =	shalt  }
0x5a: {  	_ =	shalt  }
0x5b: {  	_ =	shalt  }
0x5c: {  	_ =	shalt  }
0x5d: {  	_ =	shalt  }
0x5e: {  	_ =	shalt  }
0x5f: {  	_ =	shalt  }
0x60: {  	_ =	shalt  }
0x61: {  	_ =	shalt  }
0x62: {  	_ =	shalt  }
0x63: {  	_ =	shalt  }
0x64: {  	_ =	shalt  }
0x65: {  	_ =	shalt  }
0x66: {  	_ =	shalt  }
0x67: {  	_ =	shalt  }
0x68: {  	_ =	shalt  }
0x69: {  	_ =	shalt  }
0x6a: {  	_ =	shalt  }
0x6b: {  	_ =	shalt  }
0x6c: {  	_ =	shalt  }
0x6d: {  	_ =	shalt  }
0x6e: {  	_ =	shalt  }
0x6f: {  	_ =	shalt  }
0x70: {  	_ =	shalt  }
0x71: {  	_ =	shalt  }
0x72: {  	_ =	shalt  }
0x73: {  	_ =	shalt  }
0x74: {  	_ =	shalt  }
0x75: {  	_ =	shalt  }
0x76: {  	_ =	shalt  }
0x77: {  	_ =	shalt  }
0x78: {  	_ =	shalt  }
0x79: {  	_ =	shalt  }
0x7a: {  	_ =	shalt  }
0x7b: {  	_ =	shalt  }
0x7c: {  	_ =	shalt  }
0x7d: {  	_ =	shalt  }
0x7e: {  	_ =	shalt  }
0x7f: {  	_ =	shalt  }
0x80: {  	_ =	shalt  }
0x81: {  	_ =	shalt  }
0x82: {  	_ =	shalt  }
0x83: {  	_ =	shalt  }
0x84: {  	_ =	shalt  }
0x85: {  	_ =	shalt  }
0x86: {  	_ =	shalt  }
0x87: {  	_ =	shalt  }
.Lfunc_end0:
.L_simem_size_0:
called_computation_lowered:
.L_overlay_start_0:
0x88: {  	s2 =	sld [smem:$0x3FD9]  }
0x89: {  	s3 =	sld [smem:$0x3FFE];
	_ =	sdelay $0x1  }
0x8a: {  	s1 =	srdreg.scid  }
0x8b: {  	s0 =	sand.u32 $0x1, s1  }
0x8c: {  	s17 =	sshll.u32 s0, $0xA;
	s2 =	sadd.s32 s3, s2  }
0x8d: {  	s2 =	sadd.s32 s2, s17  }
0x8e: {  	[smem:$0x3FC3] =	sst s2  }
0x8f: {  	_ = 	snop  }
0x90: {  	s2 =	sld [smem:$0x3FC8]  }
0x91: {  	s18 =	sld [smem:$0x3FC7]  }
0x92: {  	s4 =	sld [smem:$0x3FC6]  }
0x93: {  	s5 =	sld [smem:$0x3FC5]  }
0x94: {  	s6 =	sld [smem:$0x3FD0];
	(tm) =	ssettm $0x1  }
0x95: {  	s7 =	sld [smem:$0x3FFB];
	_ =	sdelay $0x3  }
0x96: {  	_ =	strace s7  }
0x97: {  	s7 =	sld [smem:$0x3FFC];
	_ =	sdelay $0x3  }
0x98: {  	_ =	strace s7  }
0x99: {  	s7 =	sld [smem:$0x3FFD];
	_ =	sdelay $0x3  }
0x9a: {  	_ =	strace s7  }
0x9b: {  	_ =	strace $0x8FFFFFFF  }
0x9c: {  	s19 =	sld [smem:$0x3FDB];
	_ =	sdelay $0x1  }
0x9d: {  	s8 =	simm.s32 $_scs_section_size  }
0x9e: {  	s9 =	simm.s32 $_size__tile_overlayer_lowered;
	s10 =	simm.s32 $_tile_overlayer_lowered  }
0x9f: {  	s22 =	simm.s32 $0x1BFF;
	s21 =	sshll.u32 s10, $0x1;
	s7 =	sadd.s32 s8, s19  }
0xa0: {  	s11 =	simm.s32 $0x0;
	s20 =	sshll.u32 s9, $0x1;
	s9 =	sadd.s32 s21, s7  }
0xa1: {  	[timem:s11], [sflag:s22] =	dma.local [hbm:s9], s20  }
0xa2: {  	_ =	swait.ge [sflag:s22], s20  }
0xa3: {  	s8 =	ssub.s32 $0x0, s20;
	[sflag:s22] =	ssyncset.done $0x0  }
0xa4: {  	[sflag:s22] =	ssyncadd.s32 s8;
	_ =	sdelay $0x1  }
0xa5: {  	s23 =	simm.s32 $0x1B8B  }
0xa6: {  	_ =	swait.ge [sflag:s23], $0x1  }
0xa7: {  	[sflag:s23] =	ssyncset.done $0x0  }
0xa8: {  	s25 =	simm.s32 $0x1B8E;
	s24 =	sld [smem:$0x3FFE];
	[sflag:s23] =	ssyncadd.s32 $0xFFFFFFFF  }
0xa9: {  	s26 =	simm.s32 $execute0_lowered;
	[smem:$0x3FD2] =	sst s25  }
0xaa: {  	s9 =	sshll.u32 s26, $0x1;
	_ =	strace $0x80000046;
	[dreg:$0x1] =	wrdreg $0xFFFFFFFF  }
0xab: {  	s28 =	simm.s32 $_size_execute0_lowered;
	s7 =	sadd.s32 s7, s9;
	[dreg:$0x0] =	wrdreg $0x0  }
0xac: {  	s9 =	sshll.u32 s28, $0x1;
	[dreg:$0x2] =	wrdreg s7  }
0xad: {  	[dreg:$0x3] =	wrdreg s9  }
0xae: {  	[dreg:$0x4] =	wrdreg $0xC0  }
0xaf: {  	_ =	task [dreg:s11], $0x5FFFF  }
0xb0: {  	[dreg:$0x1] =	wrdreg $0xFFFFFFFF  }
0xb1: {  	[dreg:$0x0] =	wrdreg $0x60  }
0xb2: {  	[dreg:$0x2] =	wrdreg s24  }
0xb3: {  	[dreg:$0x3] =	wrdreg s2  }
0xb4: {  	[dreg:$0x4] =	wrdreg s18  }
0xb5: {  	[dreg:$0x5] =	wrdreg s4  }
0xb6: {  	[dreg:$0x6] =	wrdreg s5  }
0xb7: {  	[dreg:$0x7] =	wrdreg s6  }
0xb8: {  	[dreg:$0x8] =	wrdreg $0x9  }
0xb9: {  	_ =	task.clear_ibuf [dreg:s11], $0x9FFFF;
	_ =	strace $0x90000046  }
0xba: {  	s29 =	simm.s32 $0x9;
	_ =	strace $0x80000048  }
0xbb: {  	_ =	swait.ge [sflag:s29], $0x1  }
0xbc: {  	[sflag:s29] =	ssyncadd.s32 $0xFFFFFFFF  }
0xbd: {  	_ =	strace $0x90000048  }
0xbe: {  	_ =	sfence  }
0xbf: {  	s30 =	sld [smem:$0x0];
	_ =	sdelay $0x2  }
0xc0: {  	s31 =	sshll.u32 s1, $0xD;
	s1 =	sshrl.u32 s1, $0x2  }
0xc1: {  	s3 =	sand.u32 $0x4000, s31;
	s1 =	sadd.s32 s1, s30  }
0xc2: {  	s0 =	sor.u32 s3, s0;
	s1 =	sshll.u32 s1, $0x11  }
0xc3: {  	s0 =	sor.u32 s1, s0  }
0xc4: {  	s0 =	sadd.s32 $0x8F2B, s0  }
0xc5: {  	[sflag:s0] =	ssyncadd.remote.s32 $0x1  }
0xc6: {  	_ =	sfence.sel $0xFFFF  }
0xc7: {  	[dreg:$0x0] =	wrdreg $0xFFFFFFFF;
	(pc) =	sbr.abs _section_cstart, $3  }
0xc8: {  	[dreg:$0x1] =	wrdreg $0xFFFFFFFF  }
0xc9: {  	_ =	task.clear_ibuf [dreg:s11], $0x2FFFF;
	_ =	strace $0x9FFFFFFF  }
0xca: {  	(tm) =	ssettm $0x7FFFFFFF  }
0xcb: {  	_ =	shalt  }
tec
execute0_lowered:
.L_overlay_start_1:
0x0: {  	(tag) =	ssettag $0x1  }
0x1: {  	s0 =	rddreg [dreg:$0x0]  }
0x2: {  	s1 =	rddreg [dreg:$0x1]  }
0x3: {  	s2 =	rddreg [dreg:$0x2];
	s3 =	srdreg.scid  }
0x4: {  	s4 =	stileid.u32;
	s6 =	rddreg [dreg:$0x5]  }
0x5: {  	s8 =	simm.s32 $0x0;
	s13 =	simm.s32 $0x7;
	s28 =	simm.s32 $0x18F00  }
0x6: {  	s29 =	simm.s32 $0x19700;
	s30 =	simm.s32 $0x19F00;
	s31 =	simm.s32 $0x1A700  }
0x7: {  	s14 =	simm.s32 $0x1CF00;
	s15 =	simm.s32 $0x1D700;
	s16 =	simm.s32 $0x1DF00  }
0x8: {  	s17 =	simm.s32 $0x1E700;
	s18 =	simm.s32 $0x1EF00;
	s19 =	simm.s32 $0x1F700  }
0x9: {  	s23 =	simm.s32 $0x0;
	s3 =	sand.u32 $0x1, s3;
	s4 =	sshll.u32 s4, $0x1  }
0xa: {  	[smem:$0x7FF] =	sst s8;
	s10 =	sadd.s32 $0x100, s1;
	s4 =	sor.u32 s3, s4  }
0xb: {  	s11 =	sadd.s32 $0x200, s1;
	s3 =	ssub.s32 $0x2, s3;
	s7 =	smul.u32 $0x1900, s4  }
.Ltmp0:
0xc: {  	_ =	strace $0x80000047;
	s5 =	sshrl.u32 s3, $0x1;
	(pc) =	sbr.rel .LBB2_1-.Ltmp0, $4  }
0xd: {  	s3 =	ssub.s32 s3, s5;
	s5 =	simm.s32 $0x1C700;
	s4 =	sshrl.u32 s7, $0x3  }
0xe: {  	v2 =	vlaneseq.u32;
	s26 =	smax.u32 s3, $0x1;
	s3 =	simm.s32 $0x1BF00;
	s0 =	sadd.s32 s4, s0  }
0xf: {  	vm0 =	vmmov $0xffff;
	v1 =	vshrl.u32 v2, $0x3;
	[dreg:$0x8] =	wrdreg s26;
	s26 =	simm.s32 $0x18700;
	s0 =	sadd.s32 $0x400, s0  }
0x10: {  	v0 =	vand.u32 $0x7, v2;
	v2 =	vor.u32 $0x8, v2;
	v1 =	vmul.u32 $0x8, v1;
	s4 =	simm.s32 $0x1AF00;
	[dreg:$0x7] =	wrdreg s0;
	s0 =	simm.s32 $0x1B700  }
.LBB2_7:
0x11: {  	s9 =	simm.s32 $0x5  }
0x12: {  	_ =	swait.ge [sflag:s9], $0x7800  }
0x13: {  	[sflag:s9] =	ssyncset.done $0x0  }
0x14: {  	s24 =	simm.s32 $0x6;
	[sflag:s9] =	ssyncadd.s32 $0xFFFF8800  }
0x15: {  	_ =	swait.ge [sflag:s24], $0x7800  }
0x16: {  	[sflag:s24] =	ssyncset.done $0x0  }
0x17: {  	s12 =	simm.s32 $0x4;
	[sflag:s24] =	ssyncadd.s32 $0xFFFF8800  }
0x18: {  	_ =	swait.ge [sflag:s12], $0x7800  }
0x19: {  	s23 =	sadd.s32 $0x1, s23;
	s25 =	rddreg [dreg:$0x8]  }
0x1a: {  	p0 =	sne.s32 s23, s25  }
.Ltmp1:
0x1b: {  	_ = 	snop;
	(pc) =	sbr.rel @!p0 .LBB2_8-.Ltmp1, $3  }
0x1c: {  	_ =	sdelay $0x1  }
0x1d: {  	[sflag:s12] =	ssyncset.done $0x0  }
0x1e: {  	[sflag:s12] =	ssyncadd.s32 $0xFFFF8800  }
.LBB2_1:
0x1f: {  	s9 =	rddreg [dreg:$0x7]  }
0x20: {  	[tilespmem:s8], [sflag:$0x7] =	stream.linear.gather [hbm4b:s9+s8], $0x1900, $0x38;
	[tilespmem:$0x1FF00] =	vst v63  }
0x21: {  	_ =	swait.ge [sflag:s13], $0x1900  }
0x22: {  	[sflag:s13] =	ssyncset.done $0x0  }
0x23: {  	[sflag:s13] =	ssyncadd.s32 $0xFFFFE700  }
0x24: {  	s12 =	simm.s32 $0x9100;
	s21 =	rddreg [dreg:$0x3]  }
0x25: {  	[tilespmem:s12], [sflag:$0x7] =	stream.linear.gather [hbm4b:s21+s8], $0x300, $0x38;
	[tilespmem:$0x1FF00] =	vst v63  }
0x26: {  	_ =	swait.ge [sflag:s13], $0x300  }
0x27: {  	[sflag:s13] =	ssyncset.done $0x0  }
0x28: {  	[sflag:s13] =	ssyncadd.s32 $0xFFFFFD00  }
0x29: {  	s24 =	simm.s32 $0x9400;
	s22 =	rddreg [dreg:$0x4]  }
0x2a: {  	[tilespmem:s24], [sflag:$0x7] =	stream.linear.gather [hbm4b:s22+s8], $0x300, $0x38;
	[tilespmem:$0x1FF00] =	vst v63  }
0x2b: {  	_ =	swait.ge [sflag:s13], $0x300  }
0x2c: {  	[sflag:s13] =	ssyncset.done $0x0  }
0x2d: {  	s25 =	simm.s32 $0x1900;
	[sflag:s13] =	ssyncadd.s32 $0xFFFFFD00  }
0x2e: {  	[tilespmem:s25], [sflag:$0x7] =	stream.linear.gather [hbm4b:s2+s8], $0x7800, $0x38;
	[tilespmem:$0x1FF00] =	vst v63  }
0x2f: {  	_ =	swait.ge [sflag:s13], $0x7800  }
0x30: {  	[sflag:s13] =	ssyncset.done $0x0  }
0x31: {  	[sflag:s13] =	ssyncadd.s32 $0xFFFF8800  }
0x32: {  	v3 =	vld [tilespmem:$0x0];
	_ =	sdelay $0x4  }
0x33: {  	v4 =	vshrl.u32 v3, $0x3  }
0x34: {  	v4 =	vmul.u32 $0x30, v4  }
0x35: {  	v3 =	vand.u32 $0x7, v3  }
0x36: {  	v3 =	vor.u32 v3, v4  }
0x37: {  	v4 =	vperm.xlane v3, v0;
	_ =	sdelay $0x1  }
0x38: {  	v4 =	vadd.s32 v1, v4;
	_ =	sdelay $0x3  }
0x39: {  	s12 =	simm.s32 $0x9700;
	v3 =	vperm.xlane v3, v2  }
0x3a: {  	[tilespmem:s12], [sflag:$0x1] =	stream.indirect_vreg.gather [hbm4b:s1+s8], $0x80, v4, vm0, $0xb8;
	[tilespmem:$0x1FF00] =	vst v63  }
0x3b: {  	s20 =	simm.s32 $0x9F00;
	v3 =	vadd.s32 v1, v3  }
0x3c: {  	[tilespmem:s20], [sflag:$0x1] =	stream.indirect_vreg.gather [hbm4b:s10+s8], $0x80, v4, vm0, $0xb8;
	[tilespmem:$0x1FF00] =	vst v63  }
0x3d: {  	s21 =	simm.s32 $0xA700  }
0x3e: {  	[tilespmem:s21], [sflag:$0x1] =	stream.indirect_vreg.gather [hbm4b:s11+s8], $0x80, v4, vm0, $0xb8;
	[tilespmem:$0x1FF00] =	vst v63  }
0x3f: {  	s22 =	simm.s32 $0xAF00  }
0x40: {  	[tilespmem:s22], [sflag:$0x1] =	stream.indirect_vreg.gather [hbm4b:s1+s8], $0x80, v3, vm0, $0xb8;
	[tilespmem:$0x1FF00] =	vst v63  }
0x41: {  	s24 =	simm.s32 $0xB700  }
0x42: {  	[tilespmem:s24], [sflag:$0x1] =	stream.indirect_vreg.gather [hbm4b:s10+s8], $0x80, v3, vm0, $0xb8;
	[tilespmem:$0x1FF00] =	vst v63  }
0x43: {  	s25 =	simm.s32 $0xBF00  }
0x44: {  	[tilespmem:s25], [sflag:$0x1] =	stream.indirect_vreg.gather [hbm4b:s11+s8], $0x80, v3, vm0, $0xb8;
	[tilespmem:$0x1FF00] =	vst v63  }
0x45: {  	v3 =	vld [tilespmem:$0x10];
	_ =	sdelay $0x4  }
0x46: {  	v59 =	vshrl.u32 v3, $0x3  }
0x47: {  	v4 =	vmul.u32 $0x30, v59  }
0x48: {  	v3 =	vand.u32 $0x7, v3  }
0x49: {  	v3 =	vor.u32 v3, v4  }
0x4a: {  	v4 =	vperm.xlane v3, v0;
	_ =	sdelay $0x1  }
0x4b: {  	v4 =	vadd.s32 v1, v4;
	_ =	sdelay $0x3  }
0x4c: {  	s12 =	simm.s32 $0xC700;
	v3 =	vperm.xlane v3, v2  }
0x4d: {  	[tilespmem:s12], [sflag:$0x1] =	stream.indirect_vreg.gather [hbm4b:s1+s8], $0x80, v4, vm0, $0xb8;
	[tilespmem:$0x1FF00] =	vst v63  }
0x4e: {  	s20 =	simm.s32 $0xCF00;
	v3 =	vadd.s32 v1, v3  }
0x4f: {  	[tilespmem:s20], [sflag:$0x1] =	stream.indirect_vreg.gather [hbm4b:s10+s8], $0x80, v4, vm0, $0xb8;
	[tilespmem:$0x1FF00] =	vst v63  }
0x50: {  	s21 =	simm.s32 $0xD700  }
0x51: {  	[tilespmem:s21], [sflag:$0x1] =	stream.indirect_vreg.gather [hbm4b:s11+s8], $0x80, v4, vm0, $0xb8;
	[tilespmem:$0x1FF00] =	vst v63  }
0x52: {  	s22 =	simm.s32 $0xDF00  }
0x53: {  	[tilespmem:s22], [sflag:$0x1] =	stream.indirect_vreg.gather [hbm4b:s1+s8], $0x80, v3, vm0, $0xb8;
	[tilespmem:$0x1FF00] =	vst v63  }
0x54: {  	s24 =	simm.s32 $0xE700  }
0x55: {  	[tilespmem:s24], [sflag:$0x1] =	stream.indirect_vreg.gather [hbm4b:s10+s8], $0x80, v3, vm0, $0xb8;
	[tilespmem:$0x1FF00] =	vst v63  }
0x56: {  	s25 =	simm.s32 $0xEF00  }
0x57: {  	[tilespmem:s25], [sflag:$0x1] =	stream.indirect_vreg.gather [hbm4b:s11+s8], $0x80, v3, vm0, $0xb8;
	[tilespmem:$0x1FF00] =	vst v63  }
0x58: {  	v3 =	vld.msk [tilespmem:$0x20], $0xff;
	_ =	sdelay $0x4  }
0x59: {  	v60 =	vshrl.u32 v3, $0x3  }
0x5a: {  	v4 =	vmul.u32 $0x30, v60  }
0x5b: {  	v3 =	vand.u32 $0x7, v3  }
0x5c: {  	v3 =	vor.u32 v3, v4  }
0x5d: {  	v3 =	vperm.xlane v3, v0;
	_ =	sdelay $0x1  }
0x5e: {  	v3 =	vadd.s32 v1, v3;
	_ =	sdelay $0x3  }
0x5f: {  	s12 =	simm.s32 $0xF700  }
0x60: {  	[tilespmem:s12], [sflag:$0x1] =	stream.indirect_vreg.gather [hbm4b:s1+s8], $0x80, v3, vm0, $0xb8;
	[tilespmem:$0x1FF00] =	vst v63  }
0x61: {  	s20 =	simm.s32 $0xFF00  }
0x62: {  	[tilespmem:s20], [sflag:$0x1] =	stream.indirect_vreg.gather [hbm4b:s10+s8], $0x80, v3, vm0, $0xb8;
	[tilespmem:$0x1FF00] =	vst v63  }
0x63: {  	s21 =	simm.s32 $0x10700  }
0x64: {  	[tilespmem:s21], [sflag:$0x1] =	stream.indirect_vreg.gather [hbm4b:s11+s8], $0x80, v3, vm0, $0xb8;
	[tilespmem:$0x1FF00] =	vst v63  }
0x65: {  	v3 =	vld [tilespmem:$0xC8];
	_ =	sdelay $0x4  }
0x66: {  	v61 =	vshrl.u32 v3, $0x3  }
0x67: {  	v4 =	vmul.u32 $0x30, v61  }
0x68: {  	v3 =	vand.u32 $0x7, v3  }
0x69: {  	v3 =	vor.u32 v3, v4  }
0x6a: {  	v4 =	vperm.xlane v3, v0;
	_ =	sdelay $0x1  }
0x6b: {  	v4 =	vadd.s32 v1, v4;
	_ =	sdelay $0x3  }
0x6c: {  	s22 =	simm.s32 $0x10F00;
	v3 =	vperm.xlane v3, v2  }
0x6d: {  	[tilespmem:s22], [sflag:$0x2] =	stream.indirect_vreg.gather [hbm4b:s1+s8], $0x80, v4, vm0, $0xb8;
	[tilespmem:$0x1FF00] =	vst v63  }
0x6e: {  	s24 =	simm.s32 $0x11700;
	v3 =	vadd.s32 v1, v3  }
0x6f: {  	[tilespmem:s24], [sflag:$0x2] =	stream.indirect_vreg.gather [hbm4b:s10+s8], $0x80, v4, vm0, $0xb8;
	[tilespmem:$0x1FF00] =	vst v63  }
0x70: {  	s25 =	simm.s32 $0x11F00  }
0x71: {  	[tilespmem:s25], [sflag:$0x2] =	stream.indirect_vreg.gather [hbm4b:s11+s8], $0x80, v4, vm0, $0xb8;
	[tilespmem:$0x1FF00] =	vst v63  }
0x72: {  	s12 =	simm.s32 $0x12700  }
0x73: {  	[tilespmem:s12], [sflag:$0x2] =	stream.indirect_vreg.gather [hbm4b:s1+s8], $0x80, v3, vm0, $0xb8;
	[tilespmem:$0x1FF00] =	vst v63  }
0x74: {  	s20 =	simm.s32 $0x12F00  }
0x75: {  	[tilespmem:s20], [sflag:$0x2] =	stream.indirect_vreg.gather [hbm4b:s10+s8], $0x80, v3, vm0, $0xb8;
	[tilespmem:$0x1FF00] =	vst v63  }
0x76: {  	s21 =	simm.s32 $0x13700  }
0x77: {  	[tilespmem:s21], [sflag:$0x2] =	stream.indirect_vreg.gather [hbm4b:s11+s8], $0x80, v3, vm0, $0xb8;
	[tilespmem:$0x1FF00] =	vst v63  }
0x78: {  	v3 =	vld [tilespmem:$0xD8];
	_ =	sdelay $0x4  }
0x79: {  	v62 =	vshrl.u32 v3, $0x3  }
0x7a: {  	v4 =	vmul.u32 $0x30, v62  }
0x7b: {  	v3 =	vand.u32 $0x7, v3  }
0x7c: {  	v3 =	vor.u32 v3, v4  }
0x7d: {  	v4 =	vperm.xlane v3, v0;
	_ =	sdelay $0x1  }
0x7e: {  	v4 =	vadd.s32 v1, v4;
	_ =	sdelay $0x3  }
0x7f: {  	s22 =	simm.s32 $0x13F00;
	v3 =	vperm.xlane v3, v2  }
0x80: {  	[tilespmem:s22], [sflag:$0x2] =	stream.indirect_vreg.gather [hbm4b:s1+s8], $0x80, v4, vm0, $0xb8;
	[tilespmem:$0x1FF00] =	vst v63  }
0x81: {  	s24 =	simm.s32 $0x14700;
	v3 =	vadd.s32 v1, v3  }
0x82: {  	[tilespmem:s24], [sflag:$0x2] =	stream.indirect_vreg.gather [hbm4b:s10+s8], $0x80, v4, vm0, $0xb8;
	[tilespmem:$0x1FF00] =	vst v63  }
0x83: {  	s25 =	simm.s32 $0x14F00  }
0x84: {  	[tilespmem:s25], [sflag:$0x2] =	stream.indirect_vreg.gather [hbm4b:s11+s8], $0x80, v4, vm0, $0xb8;
	[tilespmem:$0x1FF00] =	vst v63  }
0x85: {  	s12 =	simm.s32 $0x15700  }
0x86: {  	[tilespmem:s12], [sflag:$0x2] =	stream.indirect_vreg.gather [hbm4b:s1+s8], $0x80, v3, vm0, $0xb8;
	[tilespmem:$0x1FF00] =	vst v63  }
0x87: {  	s20 =	simm.s32 $0x15F00  }
0x88: {  	[tilespmem:s20], [sflag:$0x2] =	stream.indirect_vreg.gather [hbm4b:s10+s8], $0x80, v3, vm0, $0xb8;
	[tilespmem:$0x1FF00] =	vst v63  }
0x89: {  	s21 =	simm.s32 $0x16700  }
0x8a: {  	[tilespmem:s21], [sflag:$0x2] =	stream.indirect_vreg.gather [hbm4b:s11+s8], $0x80, v3, vm0, $0xb8;
	[tilespmem:$0x1FF00] =	vst v63  }
0x8b: {  	v3 =	vld.msk [tilespmem:$0xE8], $0xff;
	_ =	sdelay $0x4  }
0x8c: {  	v63 =	vshrl.u32 v3, $0x3  }
0x8d: {  	v4 =	vmul.u32 $0x30, v63  }
0x8e: {  	v3 =	vand.u32 $0x7, v3  }
0x8f: {  	v3 =	vor.u32 v3, v4  }
0x90: {  	v3 =	vperm.xlane v3, v0;
	_ =	sdelay $0x1  }
0x91: {  	v3 =	vadd.s32 v1, v3;
	_ =	sdelay $0x3  }
0x92: {  	s22 =	simm.s32 $0x16F00  }
0x93: {  	[tilespmem:s22], [sflag:$0x2] =	stream.indirect_vreg.gather [hbm4b:s1+s8], $0x80, v3, vm0, $0xb8;
	[tilespmem:$0x1FF00] =	vst v63  }
.Ltmp2:
0x94: {  	_ = 	snop;
	(pc) =	sbr.rel .LBB2_2-.Ltmp2, $4  }
0x95: {  	s24 =	simm.s32 $0x17700  }
0x96: {  	[tilespmem:s24], [sflag:$0x2] =	stream.indirect_vreg.gather [hbm4b:s10+s8], $0x80, v3, vm0, $0xb8;
	[tilespmem:$0x1FF00] =	vst v63  }
0x97: {  	s25 =	simm.s32 $0x17F00;
	s24 =	simm.s32 $0x0  }
0x98: {  	[tilespmem:s25], [sflag:$0x2] =	stream.indirect_vreg.gather [hbm4b:s11+s8], $0x80, v3, vm0, $0xb8;
	[tilespmem:$0x1FF00] =	vst v63  }
.LBB2_3:
0x99: {  	v3 =	vld [tilespmem:$0x190];
	_ =	sdelay $0x4  }
0x9a: {  	v4 =	vshrl.u32 v3, $0x3  }
0x9b: {  	v4 =	vmul.u32 $0x30, v4  }
0x9c: {  	v3 =	vand.u32 $0x7, v3  }
0x9d: {  	v3 =	vor.u32 v3, v4  }
0x9e: {  	v4 =	vperm.xlane v3, v0;
	_ =	sdelay $0x1  }
0x9f: {  	v4 =	vadd.s32 v1, v4;
	_ =	sdelay $0x3  }
0xa0: {  	v3 =	vperm.xlane v3, v2  }
0xa1: {  	[tilespmem:s26], [sflag:$0x3] =	stream.indirect_vreg.gather [hbm4b:s1+s8], $0x80, v4, vm0, $0xb8;
	[tilespmem:$0x1FF00] =	vst v63  }
0xa2: {  	v3 =	vadd.s32 v1, v3  }
0xa3: {  	[tilespmem:s28], [sflag:$0x3] =	stream.indirect_vreg.gather [hbm4b:s10+s8], $0x80, v4, vm0, $0xb8;
	[tilespmem:$0x1FF00] =	vst v63  }
0xa4: {  	_ = 	snop  }
0xa5: {  	[tilespmem:s29], [sflag:$0x3] =	stream.indirect_vreg.gather [hbm4b:s11+s8], $0x80, v4, vm0, $0xb8;
	[tilespmem:$0x1FF00] =	vst v63  }
0xa6: {  	_ = 	snop  }
0xa7: {  	[tilespmem:s30], [sflag:$0x3] =	stream.indirect_vreg.gather [hbm4b:s1+s8], $0x80, v3, vm0, $0xb8;
	[tilespmem:$0x1FF00] =	vst v63  }
0xa8: {  	_ = 	snop  }
0xa9: {  	[tilespmem:s31], [sflag:$0x3] =	stream.indirect_vreg.gather [hbm4b:s10+s8], $0x80, v3, vm0, $0xb8;
	[tilespmem:$0x1FF00] =	vst v63  }
0xaa: {  	_ = 	snop  }
0xab: {  	[tilespmem:s4], [sflag:$0x3] =	stream.indirect_vreg.gather [hbm4b:s11+s8], $0x80, v3, vm0, $0xb8;
	[tilespmem:$0x1FF00] =	vst v63  }
0xac: {  	v3 =	vld [tilespmem:$0x1A0];
	_ =	sdelay $0x4  }
0xad: {  	v62 =	vshrl.u32 v3, $0x3  }
0xae: {  	v4 =	vmul.u32 $0x30, v62  }
0xaf: {  	v3 =	vand.u32 $0x7, v3  }
0xb0: {  	v3 =	vor.u32 v3, v4  }
0xb1: {  	v4 =	vperm.xlane v3, v0;
	_ =	sdelay $0x1  }
0xb2: {  	v4 =	vadd.s32 v1, v4;
	_ =	sdelay $0x3  }
0xb3: {  	v3 =	vperm.xlane v3, v2  }
0xb4: {  	[tilespmem:s0], [sflag:$0x3] =	stream.indirect_vreg.gather [hbm4b:s1+s8], $0x80, v4, vm0, $0xb8;
	[tilespmem:$0x1FF00] =	vst v63  }
0xb5: {  	v3 =	vadd.s32 v1, v3  }
0xb6: {  	[tilespmem:s3], [sflag:$0x3] =	stream.indirect_vreg.gather [hbm4b:s10+s8], $0x80, v4, vm0, $0xb8;
	[tilespmem:$0x1FF00] =	vst v63  }
0xb7: {  	_ = 	snop  }
0xb8: {  	[tilespmem:s5], [sflag:$0x3] =	stream.indirect_vreg.gather [hbm4b:s11+s8], $0x80, v4, vm0, $0xb8;
	[tilespmem:$0x1FF00] =	vst v63  }
0xb9: {  	_ = 	snop  }
0xba: {  	[tilespmem:s14], [sflag:$0x3] =	stream.indirect_vreg.gather [hbm4b:s1+s8], $0x80, v3, vm0, $0xb8;
	[tilespmem:$0x1FF00] =	vst v63  }
0xbb: {  	_ = 	snop  }
0xbc: {  	[tilespmem:s15], [sflag:$0x3] =	stream.indirect_vreg.gather [hbm4b:s10+s8], $0x80, v3, vm0, $0xb8;
	[tilespmem:$0x1FF00] =	vst v63  }
0xbd: {  	_ = 	snop  }
0xbe: {  	[tilespmem:s16], [sflag:$0x3] =	stream.indirect_vreg.gather [hbm4b:s11+s8], $0x80, v3, vm0, $0xb8;
	[tilespmem:$0x1FF00] =	vst v63  }
0xbf: {  	v3 =	vld.msk [tilespmem:$0x1B0], $0xff;
	_ =	sdelay $0x4  }
0xc0: {  	v63 =	vshrl.u32 v3, $0x3  }
0xc1: {  	v4 =	vmul.u32 $0x30, v63  }
0xc2: {  	v3 =	vand.u32 $0x7, v3  }
0xc3: {  	v3 =	vor.u32 v3, v4  }
0xc4: {  	v3 =	vperm.xlane v3, v0;
	_ =	sdelay $0x1  }
0xc5: {  	v3 =	vadd.s32 v1, v3;
	_ =	sdelay $0x4  }
0xc6: {  	[tilespmem:s17], [sflag:$0x3] =	stream.indirect_vreg.gather [hbm4b:s1+s8], $0x80, v3, vm0, $0xb8;
	[tilespmem:$0x1FF00] =	vst v63  }
0xc7: {  	_ = 	snop  }
0xc8: {  	[tilespmem:s18], [sflag:$0x3] =	stream.indirect_vreg.gather [hbm4b:s10+s8], $0x80, v3, vm0, $0xb8;
	[tilespmem:$0x1FF00] =	vst v63  }
0xc9: {  	_ = 	snop  }
0xca: {  	[tilespmem:s19], [sflag:$0x3] =	stream.indirect_vreg.gather [hbm4b:s11+s8], $0x80, v3, vm0, $0xb8;
	[tilespmem:$0x1FF00] =	vst v63  }
.LBB2_6:
0xcb: {  	s24 =	sadd.s32 $0x1, s24  }
0xcc: {  	p0 =	sne.s32 s24, $0xA0  }
.Ltmp3:
0xcd: {  	_ = 	snop;
	(pc) =	sbr.rel @!p0 .LBB2_7-.Ltmp3, $1  }
0xce: {  	_ =	sdelay $0x3  }
.LBB2_2:
0xcf: {  	s25 =	sand.u32 $0x1F, s24;
	p0 =	seq.s32 s24, $0x0  }
0xd0: {  	p1 =	sne.s32 @!p0 s25, $0x0  }
0xd1: {  	s9 =	sshrl.u32 s24, $0x5;
	p0 =	por p1, p0  }
0xd2: {  	s12 =	smul.u32 @!p0 $0xF00, s9  }
0xd3: {  	s22 =	smul.u32 $0xAB, s24  }
0xd4: {  	s20 =	simm.s32 @!p0 $0x0;
	s21 =	simm.s32 @!p0 $0x1900;
	s12 =	sadd.s32 @!p0 s2, s12  }
0xd5: {  	[tilespmem:s21], [sflag:$0x7] =	stream.linear.gather @!p0 [hbm4b:s12+s20], $0x7800, $0x38;
	[tilespmem:$0x1FF00] =	vst v63  }
0xd6: {  	s21 =	sshrl.u32 s22, $0x9  }
0xd7: {  	s9 =	smul.u32 $0x28, s9;
	s12 =	sand.u32 $0x7F, s21  }
0xd8: {  	s20 =	simm.s32 @!p0 $0x7;
	s12 =	smul.u32 $0x3, s12  }
0xd9: {  	s22 =	smul.u32 $0xC8, s25;
	_ =	swait.ge @!p0 [sflag:s20], $0x7800  }
0xda: {  	s9 =	sadd.s32 s7, s9;
	[sflag:s20] =	ssyncset.done @!p0 $0x0;
	s12 =	ssub.s32 s24, s12  }
0xdb: {  	s9 =	sadd.s32 s22, s9;
	[sflag:s20] =	ssyncadd.s32 @!p0 $0xFFFF8800;
	s12 =	sand.u32 $0xFF, s12  }
0xdc: {  	p0 =	sne.s32 s24, $0x0;
	s25 =	sadd.s32 $0x1, s12;
	s22 =	smul.u32 $0x1E000, s12  }
.Ltmp4:
0xdd: {  	s9 =	sshrl.u32 s9, $0x3;
	_ =	swait.ge [sflag:s25], $0x7800;
	(pc) =	sbr.rel @!p0 .LBB2_3-.Ltmp4, $4  }
0xde: {  	s9 =	smul.u32 $0x300, s9;
	[sflag:s25] =	ssyncset.done $0x0  }
0xdf: {  	[sflag:s25] =	ssyncadd.s32 $0xFFFF8800;
	s25 =	sshrl.u32 s22, $0x2  }
0xe0: {  	s12 =	sor.u32 $0x4, s12;
	s9 =	sadd.s32 s6, s9;
	s20 =	sadd.s32 $0x9700, s25  }
0xe1: {  	[hbm4b:s9+s8] =	stream.linear.scatter [tilespmem:s20], [sflag:s12], $0x7800, $0x38;
	[tilespmem:$0x1FF00] =	vst v63  }
0xe2: {  	p0 =	sgt.u32 s24, $0x9D  }
.Ltmp5:
0xe3: {  	_ = 	snop;
	(pc) =	sbr.rel @p0 .LBB2_6-.Ltmp5, $1  }
0xe4: {  	_ =	sdelay $0x3  }
0xe5: {  	s9 =	sadd.s32 $0xFFFFFFFF, s24  }
0xe6: {  	s12 =	sand.u32 $0xFF, s9  }
0xe7: {  	s12 =	smul.u32 $0xAB, s12;
	_ =	sdelay $0x1  }
0xe8: {  	s12 =	sshrl.u32 s12, $0x9  }
0xe9: {  	s12 =	smul.u32 $0x3, s12  }
0xea: {  	s20 =	sadd.s32 $0x2, s24  }
0xeb: {  	s21 =	sshrl.u32 s20, $0x5;
	s9 =	ssub.s32 s9, s12  }
0xec: {  	s22 =	sand.u32 $0x1F, s20;
	s21 =	smul.u32 $0xA0, s21;
	s9 =	sor.u32 $0x4, s9  }
0xed: {  	s12 =	smul.u32 $0x320, s22;
	s9 =	sand.u32 $0xFF, s9  }
0xee: {  	_ =	swait.ge [sflag:s9], $0x7800  }
0xef: {  	s21 =	sshra.s32 s21, $0x2;
	s12 =	sshrl.u32 s12, $0x2;
	[sflag:s9] =	ssyncset.done $0x0  }
0xf0: {  	[sflag:s9] =	ssyncadd.s32 $0xFFFF8800;
	s9 =	sadd.s32 s21, s12  }
0xf1: {  	v3 =	vld [tilespmem:s9+$0x0];
	_ =	sdelay $0x3  }
0xf2: {  	s25 =	smul.u32 $0xAB, s20  }
0xf3: {  	v4 =	vshrl.u32 v3, $0x3  }
0xf4: {  	s12 =	sshrl.u32 s25, $0x9;
	v4 =	vmul.u32 $0x30, v4  }
0xf5: {  	s12 =	sand.u32 $0x7F, s12;
	v3 =	vand.u32 $0x7, v3  }
0xf6: {  	s12 =	smul.u32 $0x3, s12;
	v3 =	vor.u32 v3, v4  }
0xf7: {  	v4 =	vperm.xlane v3, v0  }
0xf8: {  	s12 =	ssub.s32 s20, s12  }
0xf9: {  	s12 =	sand.u32 $0xFF, s12;
	v4 =	vadd.s32 v1, v4  }
0xfa: {  	s21 =	smul.u32 $0x1E000, s12;
	_ =	sdelay $0x1  }
0xfb: {  	s20 =	sshrl.u32 s21, $0x2  }
0xfc: {  	s12 =	sadd.s32 $0x1, s12;
	s22 =	sadd.s32 $0x9700, s20;
	v3 =	vperm.xlane v3, v2  }
0xfd: {  	[tilespmem:s22], [sflag:s12] =	stream.indirect_vreg.gather [hbm4b:s1+s8], $0x80, v4, vm0, $0xb8;
	[tilespmem:$0x1FF00] =	vst v63  }
0xfe: {  	s25 =	sadd.s32 $0x9F00, s20;
	v3 =	vadd.s32 v1, v3  }
0xff: {  	[tilespmem:s25], [sflag:s12] =	stream.indirect_vreg.gather [hbm4b:s10+s8], $0x80, v4, vm0, $0xb8;
	[tilespmem:$0x1FF00] =	vst v63  }
0x100: {  	s22 =	sadd.s32 $0xA700, s20  }
0x101: {  	[tilespmem:s22], [sflag:s12] =	stream.indirect_vreg.gather [hbm4b:s11+s8], $0x80, v4, vm0, $0xb8;
	[tilespmem:$0x1FF00] =	vst v63  }
0x102: {  	s25 =	sadd.s32 $0xAF00, s20  }
0x103: {  	[tilespmem:s25], [sflag:s12] =	stream.indirect_vreg.gather [hbm4b:s1+s8], $0x80, v3, vm0, $0xb8;
	[tilespmem:$0x1FF00] =	vst v63  }
0x104: {  	s22 =	sadd.s32 $0xB700, s20  }
0x105: {  	[tilespmem:s22], [sflag:s12] =	stream.indirect_vreg.gather [hbm4b:s10+s8], $0x80, v3, vm0, $0xb8;
	[tilespmem:$0x1FF00] =	vst v63  }
0x106: {  	s25 =	sadd.s32 $0xBF00, s20  }
0x107: {  	[tilespmem:s25], [sflag:s12] =	stream.indirect_vreg.gather [hbm4b:s11+s8], $0x80, v3, vm0, $0xb8;
	[tilespmem:$0x1FF00] =	vst v63  }
0x108: {  	v3 =	vld [tilespmem:s9+$0x10];
	_ =	sdelay $0x4  }
0x109: {  	v62 =	vshrl.u32 v3, $0x3  }
0x10a: {  	v4 =	vmul.u32 $0x30, v62  }
0x10b: {  	v3 =	vand.u32 $0x7, v3  }
0x10c: {  	v3 =	vor.u32 v3, v4  }
0x10d: {  	v4 =	vperm.xlane v3, v0;
	_ =	sdelay $0x1  }
0x10e: {  	v4 =	vadd.s32 v1, v4;
	_ =	sdelay $0x3  }
0x10f: {  	s22 =	sadd.s32 $0xC700, s20;
	v3 =	vperm.xlane v3, v2  }
0x110: {  	[tilespmem:s22], [sflag:s12] =	stream.indirect_vreg.gather [hbm4b:s1+s8], $0x80, v4, vm0, $0xb8;
	[tilespmem:$0x1FF00] =	vst v63  }
0x111: {  	s25 =	sadd.s32 $0xCF00, s20;
	v3 =	vadd.s32 v1, v3  }
0x112: {  	[tilespmem:s25], [sflag:s12] =	stream.indirect_vreg.gather [hbm4b:s10+s8], $0x80, v4, vm0, $0xb8;
	[tilespmem:$0x1FF00] =	vst v63  }
0x113: {  	s22 =	sadd.s32 $0xD700, s20  }
0x114: {  	[tilespmem:s22], [sflag:s12] =	stream.indirect_vreg.gather [hbm4b:s11+s8], $0x80, v4, vm0, $0xb8;
	[tilespmem:$0x1FF00] =	vst v63  }
0x115: {  	s25 =	sadd.s32 $0xDF00, s20  }
0x116: {  	[tilespmem:s25], [sflag:s12] =	stream.indirect_vreg.gather [hbm4b:s1+s8], $0x80, v3, vm0, $0xb8;
	[tilespmem:$0x1FF00] =	vst v63  }
0x117: {  	s22 =	sadd.s32 $0xE700, s20  }
0x118: {  	[tilespmem:s22], [sflag:s12] =	stream.indirect_vreg.gather [hbm4b:s10+s8], $0x80, v3, vm0, $0xb8;
	[tilespmem:$0x1FF00] =	vst v63  }
0x119: {  	s25 =	sadd.s32 $0xEF00, s20  }
0x11a: {  	[tilespmem:s25], [sflag:s12] =	stream.indirect_vreg.gather [hbm4b:s11+s8], $0x80, v3, vm0, $0xb8;
	[tilespmem:$0x1FF00] =	vst v63  }
0x11b: {  	v3 =	vld.msk [tilespmem:s9+$0x20], $0xff;
	_ =	sdelay $0x4  }
0x11c: {  	v63 =	vshrl.u32 v3, $0x3  }
0x11d: {  	v4 =	vmul.u32 $0x30, v63  }
0x11e: {  	v3 =	vand.u32 $0x7, v3  }
0x11f: {  	v3 =	vor.u32 v3, v4  }
0x120: {  	v3 =	vperm.xlane v3, v0;
	_ =	sdelay $0x1  }
0x121: {  	v3 =	vadd.s32 v1, v3;
	_ =	sdelay $0x3  }
0x122: {  	s21 =	sadd.s32 $0xF700, s20  }
0x123: {  	[tilespmem:s21], [sflag:s12] =	stream.indirect_vreg.gather [hbm4b:s1+s8], $0x80, v3, vm0, $0xb8;
	[tilespmem:$0x1FF00] =	vst v63  }
.Ltmp6:
0x124: {  	_ = 	snop;
	(pc) =	sbr.rel .LBB2_6-.Ltmp6, $4  }
0x125: {  	s22 =	sadd.s32 $0xFF00, s20  }
0x126: {  	[tilespmem:s22], [sflag:s12] =	stream.indirect_vreg.gather [hbm4b:s10+s8], $0x80, v3, vm0, $0xb8;
	[tilespmem:$0x1FF00] =	vst v63  }
0x127: {  	s25 =	sadd.s32 $0x10700, s20  }
0x128: {  	[tilespmem:s25], [sflag:s12] =	stream.indirect_vreg.gather [hbm4b:s11+s8], $0x80, v3, vm0, $0xb8;
	[tilespmem:$0x1FF00] =	vst v63  }
.LBB2_8:
0x129: {  	_ =	sfence.sel $0x180000  }
0x12a: {  	[bflag:$0x0] =	sbarrier.arrive $0xFFFF  }
0x12b: {  	_ =	strace $0x90000047  }
0x12c: {  	s0 =	stileid.u32;
	[bflag:$0x2] =	sbarrier.arrive $0xFFFF  }
0x12d: {  	p0 =	sne.s32 s0, $0x0;
	s0 =	rddreg [dreg:$0x6]  }
0x12e: {  	s0 =	sadd.s32 @!p0 $0x100000, s0  }
0x12f: {  	[sflag:s0] =	ssyncadd.tile.s32 @!p0 $0x1;
	_ =	shalt  }
.Lfunc_end2:
_tile_overlayer_lowered:
.L_overlay_start_2:
0x130: {  	(tag) =	ssettag $0x2  }
0x131: {  	s0 =	rddreg [dreg:$0x0];
	s2 =	stileid.u32  }
0x132: {  	s1 =	rddreg [dreg:$0x1];
	p0 =	sne.s32 s2, $0x0  }
0x133: {  	s3 =	rddreg [dreg:$0x2];
	[bflag:$0x3] =	sbarrier.arrive $0xFFFF;
	s2 =	simm.s32 @!p0 $0x1C07  }
0x134: {  	[timem:s3], [sflag:s2] =	dma.local @!p0 [hbm:s0], s1  }
0x135: {  	s0 =	simm.s32 @!p0 $0x7  }
0x136: {  	_ =	swait.ge @!p0 [sflag:s0], s1  }
0x137: {  	s1 =	ssub.s32 @!p0 $0x0, s1;
	[sflag:s0] =	ssyncset.done @!p0 $0x0  }
0x138: {  	[sflag:s0] =	ssyncadd.s32 @!p0 s1  }
0x139: {  	[bflag:$0x3] =	sbarrier.arrive $0xFFFF  }
0x13a: {  	_ =	shalt  }

</sc_bundles>
